<compile_context>
chip_gen: v7x
topology: tpu7x:2x2x1
jax: 0.10.2.dev20260603
libtpu: 0.0.44.dev20260713+nightly
codegen_flags: <defaults>
</compile_context>

<pallas_src>
import jax
import jax.numpy as jnp
from jax import lax
from jax.experimental import pallas as pl
from jax.experimental.pallas import tpu as pltpu
from jax.experimental.pallas import tpu_sc as plsc

BATCH = 16384
DIM = 128
LANES = 16
NUM_CORES = 2
NUM_SUBCORES = 16
NUM_WORKERS = NUM_CORES * NUM_SUBCORES
ROWS_PER_WORKER = BATCH // NUM_WORKERS
CHUNK = 64
NUM_CHUNKS = ROWS_PER_WORKER // CHUNK
VPR = DIM // LANES


def _sc_partial_body(data_hbm, labels_hbm, cen_hbm, out_hbm,
                     idx_v, spm, d0, d1, c0, c1, acc_v,
                     sem_i, sem_h0, sem_h1,
                     sem_d0, sem_d1, sem_c0, sem_c1):
  wid = lax.axis_index("s") * NUM_CORES + lax.axis_index("c")
  sid = lax.axis_index("s")
  base = wid * ROWS_PER_WORKER

  pltpu.async_copy(labels_hbm.at[pl.ds(base, ROWS_PER_WORKER)], idx_v, sem_i)
  pltpu.async_copy(data_hbm.at[pl.ds(base, CHUNK)], spm.at[sid, 0], sem_h0)
  pltpu.async_copy(data_hbm.at[pl.ds(base + CHUNK, CHUNK)], spm.at[sid, 1],
                   sem_h1)
  pltpu.make_async_copy(labels_hbm.at[pl.ds(base, ROWS_PER_WORKER)], idx_v,
                        sem_i).wait()
  pltpu.async_copy(cen_hbm.at[idx_v.at[pl.ds(0, CHUNK)]], c0, sem_c0)
  pltpu.async_copy(cen_hbm.at[idx_v.at[pl.ds(CHUNK, CHUNK)]], c1, sem_c1)
  pltpu.make_async_copy(data_hbm.at[pl.ds(base, CHUNK)], spm.at[sid, 0],
                        sem_h0).wait()
  pltpu.async_copy(spm.at[sid, 0], d0, sem_d0)
  pltpu.make_async_copy(data_hbm.at[pl.ds(base, CHUNK)], spm.at[sid, 1],
                        sem_h1).wait()
  pltpu.async_copy(spm.at[sid, 1], d1, sem_d1)

  def compute(dbuf, cbuf, accs):
    def row_body(r, a):
      out = []
      for j in range(VPR):
        d = dbuf[r, pl.ds(j * LANES, LANES)]
        c = cbuf[r, pl.ds(j * LANES, LANES)]
        t = d - c
        out.append(a[j] + t * t)
      return tuple(out)
    return plsc.parallel_loop(0, CHUNK, 1, unroll=2, carry=accs)(row_body)

  accs0 = tuple(jnp.zeros((LANES,), jnp.float32) for _ in range(VPR))

  def pair_body(i, accs):
    for (dbuf, cbuf, sem_d, sem_c, hsem, off) in (
        (d0, c0, sem_d0, sem_c0, sem_h0, 0),
        (d1, c1, sem_d1, sem_c1, sem_h1, 1)):
      g = 2 * i + off
      pltpu.make_async_copy(
          data_hbm.at[pl.ds(base + g * CHUNK, CHUNK)], dbuf, sem_d).wait()

      @pl.when(g + 2 < NUM_CHUNKS)
      def _(hsem=hsem, off=off, g=g):
        pltpu.async_copy(
            data_hbm.at[pl.ds(base + (g + 2) * CHUNK, CHUNK)],
            spm.at[sid, off], hsem)

      pltpu.make_async_copy(
          cen_hbm.at[idx_v.at[pl.ds(g * CHUNK, CHUNK)]], cbuf, sem_c).wait()
      accs = compute(dbuf, cbuf, accs)

      @pl.when(g + 2 < NUM_CHUNKS)
      def _(hsem=hsem, dbuf=dbuf, cbuf=cbuf, sem_d=sem_d, sem_c=sem_c,
            off=off, g=g):
        pltpu.make_async_copy(
            data_hbm.at[pl.ds(base + (g + 2) * CHUNK, CHUNK)],
            spm.at[sid, off], hsem).wait()
        pltpu.async_copy(spm.at[sid, off], dbuf, sem_d)
        pltpu.async_copy(
            cen_hbm.at[idx_v.at[pl.ds((g + 2) * CHUNK, CHUNK)]], cbuf, sem_c)
    return accs

  accs = lax.fori_loop(0, NUM_CHUNKS // 2, pair_body, accs0)

  total = accs[0]
  for j in range(1, VPR):
    total = total + accs[j]
  acc_v[0] = total
  pltpu.sync_copy(acc_v, out_hbm.at[pl.ds(wid, 1)])


def _sc_partials(data, labels, cen):
  mesh = plsc.VectorSubcoreMesh(
      core_axis_name="c", subcore_axis_name="s",
      num_cores=NUM_CORES, num_subcores=NUM_SUBCORES)
  kern = pl.kernel(
      _sc_partial_body,
      out_type=jax.ShapeDtypeStruct((NUM_WORKERS, LANES), jnp.float32),
      mesh=mesh,
      scratch_types=[
          pltpu.VMEM((ROWS_PER_WORKER,), jnp.int32),
          pltpu.VMEM_SHARED((NUM_SUBCORES, 2, CHUNK, DIM), jnp.float32),
          pltpu.VMEM((CHUNK, DIM), jnp.float32),
          pltpu.VMEM((CHUNK, DIM), jnp.float32),
          pltpu.VMEM((CHUNK, DIM), jnp.float32),
          pltpu.VMEM((CHUNK, DIM), jnp.float32),
          pltpu.VMEM((1, LANES), jnp.float32),
          pltpu.SemaphoreType.DMA,
          pltpu.SemaphoreType.DMA,
          pltpu.SemaphoreType.DMA,
          pltpu.SemaphoreType.DMA,
          pltpu.SemaphoreType.DMA,
          pltpu.SemaphoreType.DMA,
          pltpu.SemaphoreType.DMA,
      ],
  )
  return kern(data, labels, cen)


def _tc_reduce_body(p_ref, o_ref):
  o_ref[0, 0] = jnp.sum(p_ref[...]) * (1.0 / BATCH)


def _tc_reduce(partials):
  return pl.pallas_call(
      _tc_reduce_body,
      out_shape=jax.ShapeDtypeStruct((1, 1), jnp.float32),
      in_specs=[pl.BlockSpec(memory_space=pltpu.VMEM)],
      out_specs=pl.BlockSpec(memory_space=pltpu.SMEM),
  )(partials)


@jax.jit
def kernel(data, labels, cen):
  partials = _sc_partials(data, labels.astype(jnp.int32), cen)
  return _tc_reduce(partials)[0, 0]

# --- scband reference (transcript-rebuilt; emitter-appended) ---
"""Pipeline reference for scband-adaptive-center-loss-24154896073294 (READ-ONLY COPY).

The authoritative reference and input builder live on the scoring server;
editing this copy changes nothing except your own understanding.
"""

import jax, jax.numpy as jnp
import numpy as np

NUM_CLASSES = 100000
DIM = 128
BATCH = 16384


def setup_inputs(seed: int = 0) -> dict:
    key = jax.random.key(seed)
    k1, k2, k3 = jax.random.split(key, 3)
    data = jax.random.normal(k1, (BATCH, DIM), dtype=jnp.float32)
    labels = jax.random.randint(k2, (BATCH,), 0, NUM_CLASSES, dtype=jnp.int64 if jax.config.jax_enable_x64 else jnp.int32)
    # learned/EMA center buffer (torch inits to zeros; use random values for a
    # non-degenerate reference computation, matching a post-warmup state)
    cen = jax.random.normal(k3, (NUM_CLASSES, DIM), dtype=jnp.float32) * 0.02
    return {"data": data, "labels": labels, "cen": cen}


def reference(data, labels, cen):
    # Faithful translation of AdaptiveCenterLoss.forward:
    # the per-class masked assignment loop `center[labels == i] = self.cen[i]`
    # is exactly a row gather of cen by labels.
    l = data.shape[0]
    center = jnp.take(cen, labels, axis=0)
    diff = data - center
    loss = jnp.sum(diff * diff)  # MSELoss(reduction='sum')
    loss = loss / l
    return loss

if __name__ == "__main__":
    import jax
    _d = setup_inputs()
    print(jax.jit(kernel)(*tuple(_d.values())))

</pallas_src>

<mosaic_0001>
#map = affine_map<(d0, d1) -> (0, 0)>
#map1 = affine_map<(d0, d1) -> (0)>
module attributes {stable_mosaic.version = 14 : i64} {
  func.func @_sc_partial_body(%arg0: i32, %arg1: i32, %arg2: memref<16384x128xf32, #tpu.memory_space<hbm>>, %arg3: memref<16384xi32, #tpu.memory_space<hbm>>, %arg4: memref<100000x128xf32, #tpu.memory_space<hbm>>, %arg5: memref<32x16xf32, #tpu.memory_space<hbm>>, %arg6: memref<512xi32, #tpu.memory_space<vmem>>, %arg7: memref<16x2x64x128xf32, #tpu.memory_space<vmem_shared>>, %arg8: memref<64x128xf32, #tpu.memory_space<vmem>>, %arg9: memref<64x128xf32, #tpu.memory_space<vmem>>, %arg10: memref<64x128xf32, #tpu.memory_space<vmem>>, %arg11: memref<64x128xf32, #tpu.memory_space<vmem>>, %arg12: memref<1x16xf32, #tpu.memory_space<vmem>>, %arg13: memref<!tpu.dma_semaphore, #tpu.memory_space<semaphore_mem>>, %arg14: memref<!tpu.dma_semaphore, #tpu.memory_space<semaphore_mem>>, %arg15: memref<!tpu.dma_semaphore, #tpu.memory_space<semaphore_mem>>, %arg16: memref<!tpu.dma_semaphore, #tpu.memory_space<semaphore_mem>>, %arg17: memref<!tpu.dma_semaphore, #tpu.memory_space<semaphore_mem>>, %arg18: memref<!tpu.dma_semaphore, #tpu.memory_space<semaphore_mem>>, %arg19: memref<!tpu.dma_semaphore, #tpu.memory_space<semaphore_mem>>) attributes {dimension_semantics = [#tpu.dimension_semantics<core_parallel>, #tpu.dimension_semantics<subcore_parallel>], iteration_bounds = array<i64: 2, 16>, scalar_prefetch = 0 : i64, scratch_operands = 14 : i64, tpu.core_type = #tpu.core_type<sc_vector_subcore>, window_params = [{transform_indices = #map}, {transform_indices = #map1}, {transform_indices = #map}, {transform_indices = #map}]} {
    %mul3A = arith.constant 2 : i32
    %mul3A_0 = arith.muli %arg1, %mul3A : i32
    %add3A = arith.addi %mul3A_0, %arg0 : i32
    %mul3A_1 = arith.constant 512 : i32
    %mul3A_2 = arith.muli %add3A, %mul3A_1 : i32
    %dma_start3A = tpu.memref_slice %arg3[%mul3A_2] : memref<16384xi32, #tpu.memory_space<hbm>> -> memref<512xi32, #tpu.memory_space<hbm>>
    %dma_start3A_3 = tpu.memref_slice %arg3[%mul3A_2] : memref<16384xi32, #tpu.memory_space<hbm>> -> memref<512xi32, #tpu.memory_space<hbm>>
    tpu.enqueue_dma source(%dma_start3A_3 : memref<512xi32, #tpu.memory_space<hbm>>) target(%arg6 : memref<512xi32, #tpu.memory_space<vmem>>) target_semaphore(%arg13 : memref<!tpu.dma_semaphore, #tpu.memory_space<semaphore_mem>>)
    %dma_start3A_4 = arith.constant 0 : i32
    %dma_start3A_5 = arith.constant 0 : i32
    %dma_start3A_6 = arith.constant 0 : i32
    %dma_start3A_7 = tpu.memref_slice %arg7[%arg1, %dma_start3A_4, %dma_start3A_5, %dma_start3A_6] : memref<16x2x64x128xf32, #tpu.memory_space<vmem_shared>> -> memref<1x1x64x128xf32, #tpu.memory_space<vmem_shared>>
    %dma_start3A_8 = tpu.memref_squeeze %dma_start3A_7 : memref<1x1x64x128xf32, #tpu.memory_space<vmem_shared>> -> memref<64x128xf32, #tpu.memory_space<vmem_shared>>
    %dma_start3A_9 = arith.constant 0 : i32
    %dma_start3A_10 = tpu.memref_slice %arg2[%mul3A_2, %dma_start3A_9] : memref<16384x128xf32, #tpu.memory_space<hbm>> -> memref<64x128xf32, #tpu.memory_space<hbm>>
    tpu.enqueue_dma source(%dma_start3A_10 : memref<64x128xf32, #tpu.memory_space<hbm>>) target(%dma_start3A_8 : memref<64x128xf32, #tpu.memory_space<vmem_shared>>) target_semaphore(%arg14 : memref<!tpu.dma_semaphore, #tpu.memory_space<semaphore_mem>>)
    %add3A_11 = arith.constant 64 : i32
    %add3A_12 = arith.addi %mul3A_2, %add3A_11 : i32
    %dma_start3A_13 = arith.constant 1 : i32
    %dma_start3A_14 = arith.constant 0 : i32
    %dma_start3A_15 = arith.constant 0 : i32
    %dma_start3A_16 = tpu.memref_slice %arg7[%arg1, %dma_start3A_13, %dma_start3A_14, %dma_start3A_15] : memref<16x2x64x128xf32, #tpu.memory_space<vmem_shared>> -> memref<1x1x64x128xf32, #tpu.memory_space<vmem_shared>>
    %dma_start3A_17 = tpu.memref_squeeze %dma_start3A_16 : memref<1x1x64x128xf32, #tpu.memory_space<vmem_shared>> -> memref<64x128xf32, #tpu.memory_space<vmem_shared>>
    %dma_start3A_18 = arith.constant 0 : i32
    %dma_start3A_19 = tpu.memref_slice %arg2[%add3A_12, %dma_start3A_18] : memref<16384x128xf32, #tpu.memory_space<hbm>> -> memref<64x128xf32, #tpu.memory_space<hbm>>
    tpu.enqueue_dma source(%dma_start3A_19 : memref<64x128xf32, #tpu.memory_space<hbm>>) target(%dma_start3A_17 : memref<64x128xf32, #tpu.memory_space<vmem_shared>>) target_semaphore(%arg15 : memref<!tpu.dma_semaphore, #tpu.memory_space<semaphore_mem>>)
    %dma_wait3A = tpu.memref_slice %arg3[%mul3A_2] : memref<16384xi32, #tpu.memory_space<hbm>> -> memref<512xi32, #tpu.memory_space<hbm>>
    %dma_wait3A_20 = tpu.memref_slice %arg3[%mul3A_2] : memref<16384xi32, #tpu.memory_space<hbm>> -> memref<512xi32, #tpu.memory_space<hbm>>
    tpu.wait_dma2 semaphore(%arg13 : memref<!tpu.dma_semaphore, #tpu.memory_space<semaphore_mem>>) src(%dma_wait3A_20 : memref<512xi32, #tpu.memory_space<hbm>>) dst(%arg6 : memref<512xi32, #tpu.memory_space<vmem>>)
    %dma_start3A_21 = arith.constant 0 : i32
    %dma_start3A_22 = tpu.memref_slice %arg6[%dma_start3A_21] : memref<512xi32, #tpu.memory_space<vmem>> -> memref<64xi32, #tpu.memory_space<vmem>>
    %dma_start3A_23 = arith.constant 0 : i32
    %dma_start3A_24 = arith.constant 0 : i32
    %dma_start3A_25 = tpu.memref_slice %arg4[%dma_start3A_23, %dma_start3A_24] : memref<100000x128xf32, #tpu.memory_space<hbm>> -> memref<100000x128xf32, #tpu.memory_space<hbm>>
    tpu.enqueue_indirect_dma source(%dma_start3A_25 : memref<100000x128xf32, #tpu.memory_space<hbm>>) target(%arg10 : memref<64x128xf32, #tpu.memory_space<vmem>>) offsets(%dma_start3A_22 : memref<64xi32, #tpu.memory_space<vmem>>) semaphore(%arg18 : memref<!tpu.dma_semaphore, #tpu.memory_space<semaphore_mem>>)
    %dma_start3A_26 = arith.constant 64 : i32
    %dma_start3A_27 = tpu.memref_slice %arg6[%dma_start3A_26] : memref<512xi32, #tpu.memory_space<vmem>> -> memref<64xi32, #tpu.memory_space<vmem>>
    %dma_start3A_28 = arith.constant 0 : i32
    %dma_start3A_29 = arith.constant 0 : i32
    %dma_start3A_30 = tpu.memref_slice %arg4[%dma_start3A_28, %dma_start3A_29] : memref<100000x128xf32, #tpu.memory_space<hbm>> -> memref<100000x128xf32, #tpu.memory_space<hbm>>
    tpu.enqueue_indirect_dma source(%dma_start3A_30 : memref<100000x128xf32, #tpu.memory_space<hbm>>) target(%arg11 : memref<64x128xf32, #tpu.memory_space<vmem>>) offsets(%dma_start3A_27 : memref<64xi32, #tpu.memory_space<vmem>>) semaphore(%arg19 : memref<!tpu.dma_semaphore, #tpu.memory_space<semaphore_mem>>)
    %dma_wait3A_31 = arith.constant 0 : i32
    %dma_wait3A_32 = arith.constant 0 : i32
    %dma_wait3A_33 = arith.constant 0 : i32
    %dma_wait3A_34 = tpu.memref_slice %arg7[%arg1, %dma_wait3A_31, %dma_wait3A_32, %dma_wait3A_33] : memref<16x2x64x128xf32, #tpu.memory_space<vmem_shared>> -> memref<1x1x64x128xf32, #tpu.memory_space<vmem_shared>>
    %dma_wait3A_35 = tpu.memref_squeeze %dma_wait3A_34 : memref<1x1x64x128xf32, #tpu.memory_space<vmem_shared>> -> memref<64x128xf32, #tpu.memory_space<vmem_shared>>
    %dma_wait3A_36 = arith.constant 0 : i32
    %dma_wait3A_37 = tpu.memref_slice %arg2[%mul3A_2, %dma_wait3A_36] : memref<16384x128xf32, #tpu.memory_space<hbm>> -> memref<64x128xf32, #tpu.memory_space<hbm>>
    tpu.wait_dma2 semaphore(%arg14 : memref<!tpu.dma_semaphore, #tpu.memory_space<semaphore_mem>>) src(%dma_wait3A_37 : memref<64x128xf32, #tpu.memory_space<hbm>>) dst(%dma_wait3A_35 : memref<64x128xf32, #tpu.memory_space<vmem_shared>>)
    %dma_start3A_38 = arith.constant 0 : i32
    %dma_start3A_39 = arith.constant 0 : i32
    %dma_start3A_40 = arith.constant 0 : i32
    %dma_start3A_41 = tpu.memref_slice %arg7[%arg1, %dma_start3A_38, %dma_start3A_39, %dma_start3A_40] : memref<16x2x64x128xf32, #tpu.memory_space<vmem_shared>> -> memref<1x1x64x128xf32, #tpu.memory_space<vmem_shared>>
    %dma_start3A_42 = tpu.memref_squeeze %dma_start3A_41 : memref<1x1x64x128xf32, #tpu.memory_space<vmem_shared>> -> memref<64x128xf32, #tpu.memory_space<vmem_shared>>
    %dma_start3A_43 = arith.constant 0 : i32
    %dma_start3A_44 = arith.constant 0 : i32
    %dma_start3A_45 = tpu.memref_slice %arg7[%arg1, %dma_start3A_38, %dma_start3A_43, %dma_start3A_44] : memref<16x2x64x128xf32, #tpu.memory_space<vmem_shared>> -> memref<1x1x64x128xf32, #tpu.memory_space<vmem_shared>>
    %dma_start3A_46 = tpu.memref_squeeze %dma_start3A_45 : memref<1x1x64x128xf32, #tpu.memory_space<vmem_shared>> -> memref<64x128xf32, #tpu.memory_space<vmem_shared>>
    tpu.enqueue_dma source(%dma_start3A_46 : memref<64x128xf32, #tpu.memory_space<vmem_shared>>) target(%arg8 : memref<64x128xf32, #tpu.memory_space<vmem>>) target_semaphore(%arg16 : memref<!tpu.dma_semaphore, #tpu.memory_space<semaphore_mem>>)
    %dma_wait3A_47 = arith.constant 1 : i32
    %dma_wait3A_48 = arith.constant 0 : i32
    %dma_wait3A_49 = arith.constant 0 : i32
    %dma_wait3A_50 = tpu.memref_slice %arg7[%arg1, %dma_wait3A_47, %dma_wait3A_48, %dma_wait3A_49] : memref<16x2x64x128xf32, #tpu.memory_space<vmem_shared>> -> memref<1x1x64x128xf32, #tpu.memory_space<vmem_shared>>
    %dma_wait3A_51 = tpu.memref_squeeze %dma_wait3A_50 : memref<1x1x64x128xf32, #tpu.memory_space<vmem_shared>> -> memref<64x128xf32, #tpu.memory_space<vmem_shared>>
    %dma_wait3A_52 = arith.constant 0 : i32
    %dma_wait3A_53 = tpu.memref_slice %arg2[%mul3A_2, %dma_wait3A_52] : memref<16384x128xf32, #tpu.memory_space<hbm>> -> memref<64x128xf32, #tpu.memory_space<hbm>>
    tpu.wait_dma2 semaphore(%arg15 : memref<!tpu.dma_semaphore, #tpu.memory_space<semaphore_mem>>) src(%dma_wait3A_53 : memref<64x128xf32, #tpu.memory_space<hbm>>) dst(%dma_wait3A_51 : memref<64x128xf32, #tpu.memory_space<vmem_shared>>)
    %dma_start3A_54 = arith.constant 1 : i32
    %dma_start3A_55 = arith.constant 0 : i32
    %dma_start3A_56 = arith.constant 0 : i32
    %dma_start3A_57 = tpu.memref_slice %arg7[%arg1, %dma_start3A_54, %dma_start3A_55, %dma_start3A_56] : memref<16x2x64x128xf32, #tpu.memory_space<vmem_shared>> -> memref<1x1x64x128xf32, #tpu.memory_space<vmem_shared>>
    %dma_start3A_58 = tpu.memref_squeeze %dma_start3A_57 : memref<1x1x64x128xf32, #tpu.memory_space<vmem_shared>> -> memref<64x128xf32, #tpu.memory_space<vmem_shared>>
    %dma_start3A_59 = arith.constant 0 : i32
    %dma_start3A_60 = arith.constant 0 : i32
    %dma_start3A_61 = tpu.memref_slice %arg7[%arg1, %dma_start3A_54, %dma_start3A_59, %dma_start3A_60] : memref<16x2x64x128xf32, #tpu.memory_space<vmem_shared>> -> memref<1x1x64x128xf32, #tpu.memory_space<vmem_shared>>
    %dma_start3A_62 = tpu.memref_squeeze %dma_start3A_61 : memref<1x1x64x128xf32, #tpu.memory_space<vmem_shared>> -> memref<64x128xf32, #tpu.memory_space<vmem_shared>>
    tpu.enqueue_dma source(%dma_start3A_62 : memref<64x128xf32, #tpu.memory_space<vmem_shared>>) target(%arg9 : memref<64x128xf32, #tpu.memory_space<vmem>>) target_semaphore(%arg17 : memref<!tpu.dma_semaphore, #tpu.memory_space<semaphore_mem>>)
    %broadcast_in_dim3A = arith.constant 0.000000e+00 : f32
    %broadcast_in_dim3A_63 = vector.broadcast %broadcast_in_dim3A : f32 to vector<16xf32>
    %broadcast_in_dim3A_64 = arith.constant 0.000000e+00 : f32
    %broadcast_in_dim3A_65 = vector.broadcast %broadcast_in_dim3A_64 : f32 to vector<16xf32>
    %broadcast_in_dim3A_66 = arith.constant 0.000000e+00 : f32
    %broadcast_in_dim3A_67 = vector.broadcast %broadcast_in_dim3A_66 : f32 to vector<16xf32>
    %broadcast_in_dim3A_68 = arith.constant 0.000000e+00 : f32
    %broadcast_in_dim3A_69 = vector.broadcast %broadcast_in_dim3A_68 : f32 to vector<16xf32>
    %broadcast_in_dim3A_70 = arith.constant 0.000000e+00 : f32
    %broadcast_in_dim3A_71 = vector.broadcast %broadcast_in_dim3A_70 : f32 to vector<16xf32>
    %broadcast_in_dim3A_72 = arith.constant 0.000000e+00 : f32
    %broadcast_in_dim3A_73 = vector.broadcast %broadcast_in_dim3A_72 : f32 to vector<16xf32>
    %broadcast_in_dim3A_74 = arith.constant 0.000000e+00 : f32
    %broadcast_in_dim3A_75 = vector.broadcast %broadcast_in_dim3A_74 : f32 to vector<16xf32>
    %broadcast_in_dim3A_76 = arith.constant 0.000000e+00 : f32
    %broadcast_in_dim3A_77 = vector.broadcast %broadcast_in_dim3A_76 : f32 to vector<16xf32>
    %scan3A = arith.constant 0 : i32
    %scan3A_78 = arith.constant 4 : i32
    %scan3A_79 = arith.addi %scan3A, %scan3A_78 : i32
    %scan3A_80 = arith.constant 1 : i32
    %scan3A_81:8 = scf.for %scan3A_95 = %scan3A to %scan3A_79 step %scan3A_80 iter_args(%scan3A_96 = %broadcast_in_dim3A_63, %scan3A_97 = %broadcast_in_dim3A_65, %scan3A_98 = %broadcast_in_dim3A_67, %scan3A_99 = %broadcast_in_dim3A_69, %scan3A_100 = %broadcast_in_dim3A_71, %scan3A_101 = %broadcast_in_dim3A_73, %scan3A_102 = %broadcast_in_dim3A_75, %scan3A_103 = %broadcast_in_dim3A_77) -> (vector<16xf32>, vector<16xf32>, vector<16xf32>, vector<16xf32>, vector<16xf32>, vector<16xf32>, vector<16xf32>, vector<16xf32>)  : i32 {
      %mul3A_104 = arith.constant 2 : i32
      %mul3A_105 = arith.muli %mul3A_104, %scan3A_95 : i32
      %add3A_106 = arith.constant 0 : i32
      %add3A_107 = arith.addi %mul3A_105, %add3A_106 : i32
      %mul3A_108 = arith.constant 64 : i32
      %mul3A_109 = arith.muli %add3A_107, %mul3A_108 : i32
      %add3A_110 = arith.addi %mul3A_2, %mul3A_109 : i32
      %dma_wait3A_111 = arith.constant 0 : i32
      %dma_wait3A_112 = tpu.memref_slice %arg2[%add3A_110, %dma_wait3A_111] : memref<16384x128xf32, #tpu.memory_space<hbm>> -> memref<64x128xf32, #tpu.memory_space<hbm>>
      %dma_wait3A_113 = arith.constant 0 : i32
      %dma_wait3A_114 = tpu.memref_slice %arg2[%add3A_110, %dma_wait3A_113] : memref<16384x128xf32, #tpu.memory_space<hbm>> -> memref<64x128xf32, #tpu.memory_space<hbm>>
      tpu.wait_dma2 semaphore(%arg16 : memref<!tpu.dma_semaphore, #tpu.memory_space<semaphore_mem>>) src(%dma_wait3A_114 : memref<64x128xf32, #tpu.memory_space<hbm>>) dst(%arg8 : memref<64x128xf32, #tpu.memory_space<vmem>>)
      %add3A_115 = arith.constant 2 : i32
      %add3A_116 = arith.addi %add3A_107, %add3A_115 : i32
      %lt3A = arith.constant 8 : i32
      %lt3A_117 = arith.cmpi slt, %add3A_116, %lt3A : i32
      %convert_element_type3A = arith.extui %lt3A_117 : i1 to i32
      %cond3A = arith.constant 0 : i32
      %cond3A_118 = arith.cmpi ne, %convert_element_type3A, %cond3A : i32
      scf.if %cond3A_118 {
        %add3A_170 = arith.constant 2 : i32
        %add3A_171 = arith.addi %add3A_107, %add3A_170 : i32
        %mul3A_172 = arith.constant 64 : i32
        %mul3A_173 = arith.muli %add3A_171, %mul3A_172 : i32
        %add3A_174 = arith.addi %mul3A_2, %mul3A_173 : i32
        %dma_start3A_175 = arith.constant 0 : i32
        %dma_start3A_176 = arith.constant 0 : i32
        %dma_start3A_177 = arith.constant 0 : i32
        %dma_start3A_178 = tpu.memref_slice %arg7[%arg1, %dma_start3A_175, %dma_start3A_176, %dma_start3A_177] : memref<16x2x64x128xf32, #tpu.memory_space<vmem_shared>> -> memref<1x1x64x128xf32, #tpu.memory_space<vmem_shared>>
        %dma_start3A_179 = tpu.memref_squeeze %dma_start3A_178 : memref<1x1x64x128xf32, #tpu.memory_space<vmem_shared>> -> memref<64x128xf32, #tpu.memory_space<vmem_shared>>
        %dma_start3A_180 = arith.constant 0 : i32
        %dma_start3A_181 = tpu.memref_slice %arg2[%add3A_174, %dma_start3A_180] : memref<16384x128xf32, #tpu.memory_space<hbm>> -> memref<64x128xf32, #tpu.memory_space<hbm>>
        tpu.enqueue_dma source(%dma_start3A_181 : memref<64x128xf32, #tpu.memory_space<hbm>>) target(%dma_start3A_179 : memref<64x128xf32, #tpu.memory_space<vmem_shared>>) target_semaphore(%arg14 : memref<!tpu.dma_semaphore, #tpu.memory_space<semaphore_mem>>)
      } else {
      }
      %mul3A_119 = arith.constant 64 : i32
      %mul3A_120 = arith.muli %add3A_107, %mul3A_119 : i32
      %dma_wait3A_121 = tpu.memref_slice %arg6[%mul3A_120] : memref<512xi32, #tpu.memory_space<vmem>> -> memref<64xi32, #tpu.memory_space<vmem>>
      %dma_wait3A_122 = arith.constant 0 : i32
      %dma_wait3A_123 = arith.constant 0 : i32
      %dma_wait3A_124 = tpu.memref_slice %arg4[%dma_wait3A_122, %dma_wait3A_123] : memref<100000x128xf32, #tpu.memory_space<hbm>> -> memref<100000x128xf32, #tpu.memory_space<hbm>>
      tpu.wait_indirect_dma semaphore(%arg18 : memref<!tpu.dma_semaphore, #tpu.memory_space<semaphore_mem>>) src(%dma_wait3A_124 : memref<100000x128xf32, #tpu.memory_space<hbm>>) dst(%arg10 : memref<64x128xf32, #tpu.memory_space<vmem>>)
      %parallel_loop3A = arith.constant 0 : i32
      %parallel_loop3A_125 = arith.constant 64 : i32
      %parallel_loop3A_126 = arith.constant 1 : i32
      %parallel_loop3A_127:8 = scf.for %parallel_loop3A_170 = %parallel_loop3A to %parallel_loop3A_125 step %parallel_loop3A_126 iter_args(%parallel_loop3A_171 = %scan3A_96, %parallel_loop3A_172 = %scan3A_97, %parallel_loop3A_173 = %scan3A_98, %parallel_loop3A_174 = %scan3A_99, %parallel_loop3A_175 = %scan3A_100, %parallel_loop3A_176 = %scan3A_101, %parallel_loop3A_177 = %scan3A_102, %parallel_loop3A_178 = %scan3A_103) -> (vector<16xf32>, vector<16xf32>, vector<16xf32>, vector<16xf32>, vector<16xf32>, vector<16xf32>, vector<16xf32>, vector<16xf32>)  : i32 {
        %parallel_loop3A_179 = arith.index_cast %parallel_loop3A_170 : i32 to index
        %parallel_loop3A_180 = arith.constant 0 : index
        %parallel_loop3A_181 = tpu.vector_load %arg8[%parallel_loop3A_179, %parallel_loop3A_180] {strides = array<i32>} : memref<64x128xf32, #tpu.memory_space<vmem>>, vector<1x16xf32>,
        %parallel_loop3A_182 = vector.shape_cast %parallel_loop3A_181 : vector<1x16xf32> to vector<16xf32>
        %parallel_loop3A_183 = arith.index_cast %parallel_loop3A_170 : i32 to index
        %parallel_loop3A_184 = arith.constant 0 : index
        %parallel_loop3A_185 = tpu.vector_load %arg10[%parallel_loop3A_183, %parallel_loop3A_184] {strides = array<i32>} : memref<64x128xf32, #tpu.memory_space<vmem>>, vector<1x16xf32>,
        %parallel_loop3A_186 = vector.shape_cast %parallel_loop3A_185 : vector<1x16xf32> to vector<16xf32>
        %parallel_loop3A_187 = arith.subf %parallel_loop3A_182, %parallel_loop3A_186 : vector<16xf32>
        %parallel_loop3A_188 = arith.mulf %parallel_loop3A_187, %parallel_loop3A_187 : vector<16xf32>
        %parallel_loop3A_189 = arith.addf %parallel_loop3A_171, %parallel_loop3A_188 : vector<16xf32>
        %parallel_loop3A_190 = arith.index_cast %parallel_loop3A_170 : i32 to index
        %parallel_loop3A_191 = arith.constant 16 : index
        %parallel_loop3A_192 = tpu.vector_load %arg8[%parallel_loop3A_190, %parallel_loop3A_191] {strides = array<i32>} : memref<64x128xf32, #tpu.memory_space<vmem>>, vector<1x16xf32>,
        %parallel_loop3A_193 = vector.shape_cast %parallel_loop3A_192 : vector<1x16xf32> to vector<16xf32>
        %parallel_loop3A_194 = arith.index_cast %parallel_loop3A_170 : i32 to index
        %parallel_loop3A_195 = arith.constant 16 : index
        %parallel_loop3A_196 = tpu.vector_load %arg10[%parallel_loop3A_194, %parallel_loop3A_195] {strides = array<i32>} : memref<64x128xf32, #tpu.memory_space<vmem>>, vector<1x16xf32>,
        %parallel_loop3A_197 = vector.shape_cast %parallel_loop3A_196 : vector<1x16xf32> to vector<16xf32>
        %parallel_loop3A_198 = arith.subf %parallel_loop3A_193, %parallel_loop3A_197 : vector<16xf32>
        %parallel_loop3A_199 = arith.mulf %parallel_loop3A_198, %parallel_loop3A_198 : vector<16xf32>
        %parallel_loop3A_200 = arith.addf %parallel_loop3A_172, %parallel_loop3A_199 : vector<16xf32>
        %parallel_loop3A_201 = arith.index_cast %parallel_loop3A_170 : i32 to index
        %parallel_loop3A_202 = arith.constant 32 : index
        %parallel_loop3A_203 = tpu.vector_load %arg8[%parallel_loop3A_201, %parallel_loop3A_202] {strides = array<i32>} : memref<64x128xf32, #tpu.memory_space<vmem>>, vector<1x16xf32>,
        %parallel_loop3A_204 = vector.shape_cast %parallel_loop3A_203 : vector<1x16xf32> to vector<16xf32>
        %parallel_loop3A_205 = arith.index_cast %parallel_loop3A_170 : i32 to index
        %parallel_loop3A_206 = arith.constant 32 : index
        %parallel_loop3A_207 = tpu.vector_load %arg10[%parallel_loop3A_205, %parallel_loop3A_206] {strides = array<i32>} : memref<64x128xf32, #tpu.memory_space<vmem>>, vector<1x16xf32>,
        %parallel_loop3A_208 = vector.shape_cast %parallel_loop3A_207 : vector<1x16xf32> to vector<16xf32>
        %parallel_loop3A_209 = arith.subf %parallel_loop3A_204, %parallel_loop3A_208 : vector<16xf32>
        %parallel_loop3A_210 = arith.mulf %parallel_loop3A_209, %parallel_loop3A_209 : vector<16xf32>
        %parallel_loop3A_211 = arith.addf %parallel_loop3A_173, %parallel_loop3A_210 : vector<16xf32>
        %parallel_loop3A_212 = arith.index_cast %parallel_loop3A_170 : i32 to index
        %parallel_loop3A_213 = arith.constant 48 : index
        %parallel_loop3A_214 = tpu.vector_load %arg8[%parallel_loop3A_212, %parallel_loop3A_213] {strides = array<i32>} : memref<64x128xf32, #tpu.memory_space<vmem>>, vector<1x16xf32>,
        %parallel_loop3A_215 = vector.shape_cast %parallel_loop3A_214 : vector<1x16xf32> to vector<16xf32>
        %parallel_loop3A_216 = arith.index_cast %parallel_loop3A_170 : i32 to index
        %parallel_loop3A_217 = arith.constant 48 : index
        %parallel_loop3A_218 = tpu.vector_load %arg10[%parallel_loop3A_216, %parallel_loop3A_217] {strides = array<i32>} : memref<64x128xf32, #tpu.memory_space<vmem>>, vector<1x16xf32>,
        %parallel_loop3A_219 = vector.shape_cast %parallel_loop3A_218 : vector<1x16xf32> to vector<16xf32>
        %parallel_loop3A_220 = arith.subf %parallel_loop3A_215, %parallel_loop3A_219 : vector<16xf32>
        %parallel_loop3A_221 = arith.mulf %parallel_loop3A_220, %parallel_loop3A_220 : vector<16xf32>
        %parallel_loop3A_222 = arith.addf %parallel_loop3A_174, %parallel_loop3A_221 : vector<16xf32>
        %parallel_loop3A_223 = arith.index_cast %parallel_loop3A_170 : i32 to index
        %parallel_loop3A_224 = arith.constant 64 : index
        %parallel_loop3A_225 = tpu.vector_load %arg8[%parallel_loop3A_223, %parallel_loop3A_224] {strides = array<i32>} : memref<64x128xf32, #tpu.memory_space<vmem>>, vector<1x16xf32>,
        %parallel_loop3A_226 = vector.shape_cast %parallel_loop3A_225 : vector<1x16xf32> to vector<16xf32>
        %parallel_loop3A_227 = arith.index_cast %parallel_loop3A_170 : i32 to index
        %parallel_loop3A_228 = arith.constant 64 : index
        %parallel_loop3A_229 = tpu.vector_load %arg10[%parallel_loop3A_227, %parallel_loop3A_228] {strides = array<i32>} : memref<64x128xf32, #tpu.memory_space<vmem>>, vector<1x16xf32>,
        %parallel_loop3A_230 = vector.shape_cast %parallel_loop3A_229 : vector<1x16xf32> to vector<16xf32>
        %parallel_loop3A_231 = arith.subf %parallel_loop3A_226, %parallel_loop3A_230 : vector<16xf32>
        %parallel_loop3A_232 = arith.mulf %parallel_loop3A_231, %parallel_loop3A_231 : vector<16xf32>
        %parallel_loop3A_233 = arith.addf %parallel_loop3A_175, %parallel_loop3A_232 : vector<16xf32>
        %parallel_loop3A_234 = arith.index_cast %parallel_loop3A_170 : i32 to index
        %parallel_loop3A_235 = arith.constant 80 : index
        %parallel_loop3A_236 = tpu.vector_load %arg8[%parallel_loop3A_234, %parallel_loop3A_235] {strides = array<i32>} : memref<64x128xf32, #tpu.memory_space<vmem>>, vector<1x16xf32>,
        %parallel_loop3A_237 = vector.shape_cast %parallel_loop3A_236 : vector<1x16xf32> to vector<16xf32>
        %parallel_loop3A_238 = arith.index_cast %parallel_loop3A_170 : i32 to index
        %parallel_loop3A_239 = arith.constant 80 : index
        %parallel_loop3A_240 = tpu.vector_load %arg10[%parallel_loop3A_238, %parallel_loop3A_239] {strides = array<i32>} : memref<64x128xf32, #tpu.memory_space<vmem>>, vector<1x16xf32>,
        %parallel_loop3A_241 = vector.shape_cast %parallel_loop3A_240 : vector<1x16xf32> to vector<16xf32>
        %parallel_loop3A_242 = arith.subf %parallel_loop3A_237, %parallel_loop3A_241 : vector<16xf32>
        %parallel_loop3A_243 = arith.mulf %parallel_loop3A_242, %parallel_loop3A_242 : vector<16xf32>
        %parallel_loop3A_244 = arith.addf %parallel_loop3A_176, %parallel_loop3A_243 : vector<16xf32>
        %parallel_loop3A_245 = arith.index_cast %parallel_loop3A_170 : i32 to index
        %parallel_loop3A_246 = arith.constant 96 : index
        %parallel_loop3A_247 = tpu.vector_load %arg8[%parallel_loop3A_245, %parallel_loop3A_246] {strides = array<i32>} : memref<64x128xf32, #tpu.memory_space<vmem>>, vector<1x16xf32>,
        %parallel_loop3A_248 = vector.shape_cast %parallel_loop3A_247 : vector<1x16xf32> to vector<16xf32>
        %parallel_loop3A_249 = arith.index_cast %parallel_loop3A_170 : i32 to index
        %parallel_loop3A_250 = arith.constant 96 : index
        %parallel_loop3A_251 = tpu.vector_load %arg10[%parallel_loop3A_249, %parallel_loop3A_250] {strides = array<i32>} : memref<64x128xf32, #tpu.memory_space<vmem>>, vector<1x16xf32>,
        %parallel_loop3A_252 = vector.shape_cast %parallel_loop3A_251 : vector<1x16xf32> to vector<16xf32>
        %parallel_loop3A_253 = arith.subf %parallel_loop3A_248, %parallel_loop3A_252 : vector<16xf32>
        %parallel_loop3A_254 = arith.mulf %parallel_loop3A_253, %parallel_loop3A_253 : vector<16xf32>
        %parallel_loop3A_255 = arith.addf %parallel_loop3A_177, %parallel_loop3A_254 : vector<16xf32>
        %parallel_loop3A_256 = arith.index_cast %parallel_loop3A_170 : i32 to index
        %parallel_loop3A_257 = arith.constant 112 : index
        %parallel_loop3A_258 = tpu.vector_load %arg8[%parallel_loop3A_256, %parallel_loop3A_257] {strides = array<i32>} : memref<64x128xf32, #tpu.memory_space<vmem>>, vector<1x16xf32>,
        %parallel_loop3A_259 = vector.shape_cast %parallel_loop3A_258 : vector<1x16xf32> to vector<16xf32>
        %parallel_loop3A_260 = arith.index_cast %parallel_loop3A_170 : i32 to index
        %parallel_loop3A_261 = arith.constant 112 : index
        %parallel_loop3A_262 = tpu.vector_load %arg10[%parallel_loop3A_260, %parallel_loop3A_261] {strides = array<i32>} : memref<64x128xf32, #tpu.memory_space<vmem>>, vector<1x16xf32>,
        %parallel_loop3A_263 = vector.shape_cast %parallel_loop3A_262 : vector<1x16xf32> to vector<16xf32>
        %parallel_loop3A_264 = arith.subf %parallel_loop3A_259, %parallel_loop3A_263 : vector<16xf32>
        %parallel_loop3A_265 = arith.mulf %parallel_loop3A_264, %parallel_loop3A_264 : vector<16xf32>
        %parallel_loop3A_266 = arith.addf %parallel_loop3A_178, %parallel_loop3A_265 : vector<16xf32>
        scf.yield %parallel_loop3A_189, %parallel_loop3A_200, %parallel_loop3A_211, %parallel_loop3A_222, %parallel_loop3A_233, %parallel_loop3A_244, %parallel_loop3A_255, %parallel_loop3A_266 : vector<16xf32>, vector<16xf32>, vector<16xf32>, vector<16xf32>, vector<16xf32>, vector<16xf32>, vector<16xf32>, vector<16xf32>
      } {sc.loop_unroll_factor = 2 : i64, sc.parallel_access}
      %add3A_128 = arith.constant 2 : i32
      %add3A_129 = arith.addi %add3A_107, %add3A_128 : i32
      %lt3A_130 = arith.constant 8 : i32
      %lt3A_131 = arith.cmpi slt, %add3A_129, %lt3A_130 : i32
      %convert_element_type3A_132 = arith.extui %lt3A_131 : i1 to i32
      %cond3A_133 = arith.constant 0 : i32
      %cond3A_134 = arith.cmpi ne, %convert_element_type3A_132, %cond3A_133 : i32
      scf.if %cond3A_134 {
        %add3A_170 = arith.constant 2 : i32
        %add3A_171 = arith.addi %add3A_107, %add3A_170 : i32
        %mul3A_172 = arith.constant 64 : i32
        %mul3A_173 = arith.muli %add3A_171, %mul3A_172 : i32
        %add3A_174 = arith.addi %mul3A_2, %mul3A_173 : i32
        %dma_wait3A_175 = arith.constant 0 : i32
        %dma_wait3A_176 = arith.constant 0 : i32
        %dma_wait3A_177 = arith.constant 0 : i32
        %dma_wait3A_178 = tpu.memref_slice %arg7[%arg1, %dma_wait3A_175, %dma_wait3A_176, %dma_wait3A_177] : memref<16x2x64x128xf32, #tpu.memory_space<vmem_shared>> -> memref<1x1x64x128xf32, #tpu.memory_space<vmem_shared>>
        %dma_wait3A_179 = tpu.memref_squeeze %dma_wait3A_178 : memref<1x1x64x128xf32, #tpu.memory_space<vmem_shared>> -> memref<64x128xf32, #tpu.memory_space<vmem_shared>>
        %dma_wait3A_180 = arith.constant 0 : i32
        %dma_wait3A_181 = tpu.memref_slice %arg2[%add3A_174, %dma_wait3A_180] : memref<16384x128xf32, #tpu.memory_space<hbm>> -> memref<64x128xf32, #tpu.memory_space<hbm>>
        tpu.wait_dma2 semaphore(%arg14 : memref<!tpu.dma_semaphore, #tpu.memory_space<semaphore_mem>>) src(%dma_wait3A_181 : memref<64x128xf32, #tpu.memory_space<hbm>>) dst(%dma_wait3A_179 : memref<64x128xf32, #tpu.memory_space<vmem_shared>>)
        %dma_start3A_182 = arith.constant 0 : i32
        %dma_start3A_183 = arith.constant 0 : i32
        %dma_start3A_184 = arith.constant 0 : i32
        %dma_start3A_185 = tpu.memref_slice %arg7[%arg1, %dma_start3A_182, %dma_start3A_183, %dma_start3A_184] : memref<16x2x64x128xf32, #tpu.memory_space<vmem_shared>> -> memref<1x1x64x128xf32, #tpu.memory_space<vmem_shared>>
        %dma_start3A_186 = tpu.memref_squeeze %dma_start3A_185 : memref<1x1x64x128xf32, #tpu.memory_space<vmem_shared>> -> memref<64x128xf32, #tpu.memory_space<vmem_shared>>
        %dma_start3A_187 = arith.constant 0 : i32
        %dma_start3A_188 = arith.constant 0 : i32
        %dma_start3A_189 = tpu.memref_slice %arg7[%arg1, %dma_start3A_182, %dma_start3A_187, %dma_start3A_188] : memref<16x2x64x128xf32, #tpu.memory_space<vmem_shared>> -> memref<1x1x64x128xf32, #tpu.memory_space<vmem_shared>>
        %dma_start3A_190 = tpu.memref_squeeze %dma_start3A_189 : memref<1x1x64x128xf32, #tpu.memory_space<vmem_shared>> -> memref<64x128xf32, #tpu.memory_space<vmem_shared>>
        tpu.enqueue_dma source(%dma_start3A_190 : memref<64x128xf32, #tpu.memory_space<vmem_shared>>) target(%arg8 : memref<64x128xf32, #tpu.memory_space<vmem>>) target_semaphore(%arg16 : memref<!tpu.dma_semaphore, #tpu.memory_space<semaphore_mem>>)
        %add3A_191 = arith.constant 2 : i32
        %add3A_192 = arith.addi %add3A_107, %add3A_191 : i32
        %mul3A_193 = arith.constant 64 : i32
        %mul3A_194 = arith.muli %add3A_192, %mul3A_193 : i32
        %dma_start3A_195 = tpu.memref_slice %arg6[%mul3A_194] : memref<512xi32, #tpu.memory_space<vmem>> -> memref<64xi32, #tpu.memory_space<vmem>>
        %dma_start3A_196 = arith.constant 0 : i32
        %dma_start3A_197 = arith.constant 0 : i32
        %dma_start3A_198 = tpu.memref_slice %arg4[%dma_start3A_196, %dma_start3A_197] : memref<100000x128xf32, #tpu.memory_space<hbm>> -> memref<100000x128xf32, #tpu.memory_space<hbm>>
        tpu.enqueue_indirect_dma source(%dma_start3A_198 : memref<100000x128xf32, #tpu.memory_space<hbm>>) target(%arg10 : memref<64x128xf32, #tpu.memory_space<vmem>>) offsets(%dma_start3A_195 : memref<64xi32, #tpu.memory_space<vmem>>) semaphore(%arg18 : memref<!tpu.dma_semaphore, #tpu.memory_space<semaphore_mem>>)
      } else {
      }
      %mul3A_135 = arith.constant 2 : i32
      %mul3A_136 = arith.muli %mul3A_135, %scan3A_95 : i32
      %add3A_137 = arith.constant 1 : i32
      %add3A_138 = arith.addi %mul3A_136, %add3A_137 : i32
      %mul3A_139 = arith.constant 64 : i32
      %mul3A_140 = arith.muli %add3A_138, %mul3A_139 : i32
      %add3A_141 = arith.addi %mul3A_2, %mul3A_140 : i32
      %dma_wait3A_142 = arith.constant 0 : i32
      %dma_wait3A_143 = tpu.memref_slice %arg2[%add3A_141, %dma_wait3A_142] : memref<16384x128xf32, #tpu.memory_space<hbm>> -> memref<64x128xf32, #tpu.memory_space<hbm>>
      %dma_wait3A_144 = arith.constant 0 : i32
      %dma_wait3A_145 = tpu.memref_slice %arg2[%add3A_141, %dma_wait3A_144] : memref<16384x128xf32, #tpu.memory_space<hbm>> -> memref<64x128xf32, #tpu.memory_space<hbm>>
      tpu.wait_dma2 semaphore(%arg17 : memref<!tpu.dma_semaphore, #tpu.memory_space<semaphore_mem>>) src(%dma_wait3A_145 : memref<64x128xf32, #tpu.memory_space<hbm>>) dst(%arg9 : memref<64x128xf32, #tpu.memory_space<vmem>>)
      %add3A_146 = arith.constant 2 : i32
      %add3A_147 = arith.addi %add3A_138, %add3A_146 : i32
      %lt3A_148 = arith.constant 8 : i32
      %lt3A_149 = arith.cmpi slt, %add3A_147, %lt3A_148 : i32
      %convert_element_type3A_150 = arith.extui %lt3A_149 : i1 to i32
      %cond3A_151 = arith.constant 0 : i32
      %cond3A_152 = arith.cmpi ne, %convert_element_type3A_150, %cond3A_151 : i32
      scf.if %cond3A_152 {
        %add3A_170 = arith.constant 2 : i32
        %add3A_171 = arith.addi %add3A_138, %add3A_170 : i32
        %mul3A_172 = arith.constant 64 : i32
        %mul3A_173 = arith.muli %add3A_171, %mul3A_172 : i32
        %add3A_174 = arith.addi %mul3A_2, %mul3A_173 : i32
        %dma_start3A_175 = arith.constant 1 : i32
        %dma_start3A_176 = arith.constant 0 : i32
        %dma_start3A_177 = arith.constant 0 : i32
        %dma_start3A_178 = tpu.memref_slice %arg7[%arg1, %dma_start3A_175, %dma_start3A_176, %dma_start3A_177] : memref<16x2x64x128xf32, #tpu.memory_space<vmem_shared>> -> memref<1x1x64x128xf32, #tpu.memory_space<vmem_shared>>
        %dma_start3A_179 = tpu.memref_squeeze %dma_start3A_178 : memref<1x1x64x128xf32, #tpu.memory_space<vmem_shared>> -> memref<64x128xf32, #tpu.memory_space<vmem_shared>>
        %dma_start3A_180 = arith.constant 0 : i32
        %dma_start3A_181 = tpu.memref_slice %arg2[%add3A_174, %dma_start3A_180] : memref<16384x128xf32, #tpu.memory_space<hbm>> -> memref<64x128xf32, #tpu.memory_space<hbm>>
        tpu.enqueue_dma source(%dma_start3A_181 : memref<64x128xf32, #tpu.memory_space<hbm>>) target(%dma_start3A_179 : memref<64x128xf32, #tpu.memory_space<vmem_shared>>) target_semaphore(%arg15 : memref<!tpu.dma_semaphore, #tpu.memory_space<semaphore_mem>>)
      } else {
      }
      %mul3A_153 = arith.constant 64 : i32
      %mul3A_154 = arith.muli %add3A_138, %mul3A_153 : i32
      %dma_wait3A_155 = tpu.memref_slice %arg6[%mul3A_154] : memref<512xi32, #tpu.memory_space<vmem>> -> memref<64xi32, #tpu.memory_space<vmem>>
      %dma_wait3A_156 = arith.constant 0 : i32
      %dma_wait3A_157 = arith.constant 0 : i32
      %dma_wait3A_158 = tpu.memref_slice %arg4[%dma_wait3A_156, %dma_wait3A_157] : memref<100000x128xf32, #tpu.memory_space<hbm>> -> memref<100000x128xf32, #tpu.memory_space<hbm>>
      tpu.wait_indirect_dma semaphore(%arg19 : memref<!tpu.dma_semaphore, #tpu.memory_space<semaphore_mem>>) src(%dma_wait3A_158 : memref<100000x128xf32, #tpu.memory_space<hbm>>) dst(%arg11 : memref<64x128xf32, #tpu.memory_space<vmem>>)
      %parallel_loop3A_159 = arith.constant 0 : i32
      %parallel_loop3A_160 = arith.constant 64 : i32
      %parallel_loop3A_161 = arith.constant 1 : i32
      %parallel_loop3A_162:8 = scf.for %parallel_loop3A_170 = %parallel_loop3A_159 to %parallel_loop3A_160 step %parallel_loop3A_161 iter_args(%parallel_loop3A_171 = %parallel_loop3A_127#0, %parallel_loop3A_172 = %parallel_loop3A_127#1, %parallel_loop3A_173 = %parallel_loop3A_127#2, %parallel_loop3A_174 = %parallel_loop3A_127#3, %parallel_loop3A_175 = %parallel_loop3A_127#4, %parallel_loop3A_176 = %parallel_loop3A_127#5, %parallel_loop3A_177 = %parallel_loop3A_127#6, %parallel_loop3A_178 = %parallel_loop3A_127#7) -> (vector<16xf32>, vector<16xf32>, vector<16xf32>, vector<16xf32>, vector<16xf32>, vector<16xf32>, vector<16xf32>, vector<16xf32>)  : i32 {
        %parallel_loop3A_179 = arith.index_cast %parallel_loop3A_170 : i32 to index
        %parallel_loop3A_180 = arith.constant 0 : index
        %parallel_loop3A_181 = tpu.vector_load %arg9[%parallel_loop3A_179, %parallel_loop3A_180] {strides = array<i32>} : memref<64x128xf32, #tpu.memory_space<vmem>>, vector<1x16xf32>,
        %parallel_loop3A_182 = vector.shape_cast %parallel_loop3A_181 : vector<1x16xf32> to vector<16xf32>
        %parallel_loop3A_183 = arith.index_cast %parallel_loop3A_170 : i32 to index
        %parallel_loop3A_184 = arith.constant 0 : index
        %parallel_loop3A_185 = tpu.vector_load %arg11[%parallel_loop3A_183, %parallel_loop3A_184] {strides = array<i32>} : memref<64x128xf32, #tpu.memory_space<vmem>>, vector<1x16xf32>,
        %parallel_loop3A_186 = vector.shape_cast %parallel_loop3A_185 : vector<1x16xf32> to vector<16xf32>
        %parallel_loop3A_187 = arith.subf %parallel_loop3A_182, %parallel_loop3A_186 : vector<16xf32>
        %parallel_loop3A_188 = arith.mulf %parallel_loop3A_187, %parallel_loop3A_187 : vector<16xf32>
        %parallel_loop3A_189 = arith.addf %parallel_loop3A_171, %parallel_loop3A_188 : vector<16xf32>
        %parallel_loop3A_190 = arith.index_cast %parallel_loop3A_170 : i32 to index
        %parallel_loop3A_191 = arith.constant 16 : index
        %parallel_loop3A_192 = tpu.vector_load %arg9[%parallel_loop3A_190, %parallel_loop3A_191] {strides = array<i32>} : memref<64x128xf32, #tpu.memory_space<vmem>>, vector<1x16xf32>,
        %parallel_loop3A_193 = vector.shape_cast %parallel_loop3A_192 : vector<1x16xf32> to vector<16xf32>
        %parallel_loop3A_194 = arith.index_cast %parallel_loop3A_170 : i32 to index
        %parallel_loop3A_195 = arith.constant 16 : index
        %parallel_loop3A_196 = tpu.vector_load %arg11[%parallel_loop3A_194, %parallel_loop3A_195] {strides = array<i32>} : memref<64x128xf32, #tpu.memory_space<vmem>>, vector<1x16xf32>,
        %parallel_loop3A_197 = vector.shape_cast %parallel_loop3A_196 : vector<1x16xf32> to vector<16xf32>
        %parallel_loop3A_198 = arith.subf %parallel_loop3A_193, %parallel_loop3A_197 : vector<16xf32>
        %parallel_loop3A_199 = arith.mulf %parallel_loop3A_198, %parallel_loop3A_198 : vector<16xf32>
        %parallel_loop3A_200 = arith.addf %parallel_loop3A_172, %parallel_loop3A_199 : vector<16xf32>
        %parallel_loop3A_201 = arith.index_cast %parallel_loop3A_170 : i32 to index
        %parallel_loop3A_202 = arith.constant 32 : index
        %parallel_loop3A_203 = tpu.vector_load %arg9[%parallel_loop3A_201, %parallel_loop3A_202] {strides = array<i32>} : memref<64x128xf32, #tpu.memory_space<vmem>>, vector<1x16xf32>,
        %parallel_loop3A_204 = vector.shape_cast %parallel_loop3A_203 : vector<1x16xf32> to vector<16xf32>
        %parallel_loop3A_205 = arith.index_cast %parallel_loop3A_170 : i32 to index
        %parallel_loop3A_206 = arith.constant 32 : index
        %parallel_loop3A_207 = tpu.vector_load %arg11[%parallel_loop3A_205, %parallel_loop3A_206] {strides = array<i32>} : memref<64x128xf32, #tpu.memory_space<vmem>>, vector<1x16xf32>,
        %parallel_loop3A_208 = vector.shape_cast %parallel_loop3A_207 : vector<1x16xf32> to vector<16xf32>
        %parallel_loop3A_209 = arith.subf %parallel_loop3A_204, %parallel_loop3A_208 : vector<16xf32>
        %parallel_loop3A_210 = arith.mulf %parallel_loop3A_209, %parallel_loop3A_209 : vector<16xf32>
        %parallel_loop3A_211 = arith.addf %parallel_loop3A_173, %parallel_loop3A_210 : vector<16xf32>
        %parallel_loop3A_212 = arith.index_cast %parallel_loop3A_170 : i32 to index
        %parallel_loop3A_213 = arith.constant 48 : index
        %parallel_loop3A_214 = tpu.vector_load %arg9[%parallel_loop3A_212, %parallel_loop3A_213] {strides = array<i32>} : memref<64x128xf32, #tpu.memory_space<vmem>>, vector<1x16xf32>,
        %parallel_loop3A_215 = vector.shape_cast %parallel_loop3A_214 : vector<1x16xf32> to vector<16xf32>
        %parallel_loop3A_216 = arith.index_cast %parallel_loop3A_170 : i32 to index
        %parallel_loop3A_217 = arith.constant 48 : index
        %parallel_loop3A_218 = tpu.vector_load %arg11[%parallel_loop3A_216, %parallel_loop3A_217] {strides = array<i32>} : memref<64x128xf32, #tpu.memory_space<vmem>>, vector<1x16xf32>,
        %parallel_loop3A_219 = vector.shape_cast %parallel_loop3A_218 : vector<1x16xf32> to vector<16xf32>
        %parallel_loop3A_220 = arith.subf %parallel_loop3A_215, %parallel_loop3A_219 : vector<16xf32>
        %parallel_loop3A_221 = arith.mulf %parallel_loop3A_220, %parallel_loop3A_220 : vector<16xf32>
        %parallel_loop3A_222 = arith.addf %parallel_loop3A_174, %parallel_loop3A_221 : vector<16xf32>
        %parallel_loop3A_223 = arith.index_cast %parallel_loop3A_170 : i32 to index
        %parallel_loop3A_224 = arith.constant 64 : index
        %parallel_loop3A_225 = tpu.vector_load %arg9[%parallel_loop3A_223, %parallel_loop3A_224] {strides = array<i32>} : memref<64x128xf32, #tpu.memory_space<vmem>>, vector<1x16xf32>,
        %parallel_loop3A_226 = vector.shape_cast %parallel_loop3A_225 : vector<1x16xf32> to vector<16xf32>
        %parallel_loop3A_227 = arith.index_cast %parallel_loop3A_170 : i32 to index
        %parallel_loop3A_228 = arith.constant 64 : index
        %parallel_loop3A_229 = tpu.vector_load %arg11[%parallel_loop3A_227, %parallel_loop3A_228] {strides = array<i32>} : memref<64x128xf32, #tpu.memory_space<vmem>>, vector<1x16xf32>,
        %parallel_loop3A_230 = vector.shape_cast %parallel_loop3A_229 : vector<1x16xf32> to vector<16xf32>
        %parallel_loop3A_231 = arith.subf %parallel_loop3A_226, %parallel_loop3A_230 : vector<16xf32>
        %parallel_loop3A_232 = arith.mulf %parallel_loop3A_231, %parallel_loop3A_231 : vector<16xf32>
        %parallel_loop3A_233 = arith.addf %parallel_loop3A_175, %parallel_loop3A_232 : vector<16xf32>
        %parallel_loop3A_234 = arith.index_cast %parallel_loop3A_170 : i32 to index
        %parallel_loop3A_235 = arith.constant 80 : index
        %parallel_loop3A_236 = tpu.vector_load %arg9[%parallel_loop3A_234, %parallel_loop3A_235] {strides = array<i32>} : memref<64x128xf32, #tpu.memory_space<vmem>>, vector<1x16xf32>,
        %parallel_loop3A_237 = vector.shape_cast %parallel_loop3A_236 : vector<1x16xf32> to vector<16xf32>
        %parallel_loop3A_238 = arith.index_cast %parallel_loop3A_170 : i32 to index
        %parallel_loop3A_239 = arith.constant 80 : index
        %parallel_loop3A_240 = tpu.vector_load %arg11[%parallel_loop3A_238, %parallel_loop3A_239] {strides = array<i32>} : memref<64x128xf32, #tpu.memory_space<vmem>>, vector<1x16xf32>,
        %parallel_loop3A_241 = vector.shape_cast %parallel_loop3A_240 : vector<1x16xf32> to vector<16xf32>
        %parallel_loop3A_242 = arith.subf %parallel_loop3A_237, %parallel_loop3A_241 : vector<16xf32>
        %parallel_loop3A_243 = arith.mulf %parallel_loop3A_242, %parallel_loop3A_242 : vector<16xf32>
        %parallel_loop3A_244 = arith.addf %parallel_loop3A_176, %parallel_loop3A_243 : vector<16xf32>
        %parallel_loop3A_245 = arith.index_cast %parallel_loop3A_170 : i32 to index
        %parallel_loop3A_246 = arith.constant 96 : index
        %parallel_loop3A_247 = tpu.vector_load %arg9[%parallel_loop3A_245, %parallel_loop3A_246] {strides = array<i32>} : memref<64x128xf32, #tpu.memory_space<vmem>>, vector<1x16xf32>,
        %parallel_loop3A_248 = vector.shape_cast %parallel_loop3A_247 : vector<1x16xf32> to vector<16xf32>
        %parallel_loop3A_249 = arith.index_cast %parallel_loop3A_170 : i32 to index
        %parallel_loop3A_250 = arith.constant 96 : index
        %parallel_loop3A_251 = tpu.vector_load %arg11[%parallel_loop3A_249, %parallel_loop3A_250] {strides = array<i32>} : memref<64x128xf32, #tpu.memory_space<vmem>>, vector<1x16xf32>,
        %parallel_loop3A_252 = vector.shape_cast %parallel_loop3A_251 : vector<1x16xf32> to vector<16xf32>
        %parallel_loop3A_253 = arith.subf %parallel_loop3A_248, %parallel_loop3A_252 : vector<16xf32>
        %parallel_loop3A_254 = arith.mulf %parallel_loop3A_253, %parallel_loop3A_253 : vector<16xf32>
        %parallel_loop3A_255 = arith.addf %parallel_loop3A_177, %parallel_loop3A_254 : vector<16xf32>
        %parallel_loop3A_256 = arith.index_cast %parallel_loop3A_170 : i32 to index
        %parallel_loop3A_257 = arith.constant 112 : index
        %parallel_loop3A_258 = tpu.vector_load %arg9[%parallel_loop3A_256, %parallel_loop3A_257] {strides = array<i32>} : memref<64x128xf32, #tpu.memory_space<vmem>>, vector<1x16xf32>,
        %parallel_loop3A_259 = vector.shape_cast %parallel_loop3A_258 : vector<1x16xf32> to vector<16xf32>
        %parallel_loop3A_260 = arith.index_cast %parallel_loop3A_170 : i32 to index
        %parallel_loop3A_261 = arith.constant 112 : index
        %parallel_loop3A_262 = tpu.vector_load %arg11[%parallel_loop3A_260, %parallel_loop3A_261] {strides = array<i32>} : memref<64x128xf32, #tpu.memory_space<vmem>>, vector<1x16xf32>,
        %parallel_loop3A_263 = vector.shape_cast %parallel_loop3A_262 : vector<1x16xf32> to vector<16xf32>
        %parallel_loop3A_264 = arith.subf %parallel_loop3A_259, %parallel_loop3A_263 : vector<16xf32>
        %parallel_loop3A_265 = arith.mulf %parallel_loop3A_264, %parallel_loop3A_264 : vector<16xf32>
        %parallel_loop3A_266 = arith.addf %parallel_loop3A_178, %parallel_loop3A_265 : vector<16xf32>
        scf.yield %parallel_loop3A_189, %parallel_loop3A_200, %parallel_loop3A_211, %parallel_loop3A_222, %parallel_loop3A_233, %parallel_loop3A_244, %parallel_loop3A_255, %parallel_loop3A_266 : vector<16xf32>, vector<16xf32>, vector<16xf32>, vector<16xf32>, vector<16xf32>, vector<16xf32>, vector<16xf32>, vector<16xf32>
      } {sc.loop_unroll_factor = 2 : i64, sc.parallel_access}
      %add3A_163 = arith.constant 2 : i32
      %add3A_164 = arith.addi %add3A_138, %add3A_163 : i32
      %lt3A_165 = arith.constant 8 : i32
      %lt3A_166 = arith.cmpi slt, %add3A_164, %lt3A_165 : i32
      %convert_element_type3A_167 = arith.extui %lt3A_166 : i1 to i32
      %cond3A_168 = arith.constant 0 : i32
      %cond3A_169 = arith.cmpi ne, %convert_element_type3A_167, %cond3A_168 : i32
      scf.if %cond3A_169 {
        %add3A_170 = arith.constant 2 : i32
        %add3A_171 = arith.addi %add3A_138, %add3A_170 : i32
        %mul3A_172 = arith.constant 64 : i32
        %mul3A_173 = arith.muli %add3A_171, %mul3A_172 : i32
        %add3A_174 = arith.addi %mul3A_2, %mul3A_173 : i32
        %dma_wait3A_175 = arith.constant 1 : i32
        %dma_wait3A_176 = arith.constant 0 : i32
        %dma_wait3A_177 = arith.constant 0 : i32
        %dma_wait3A_178 = tpu.memref_slice %arg7[%arg1, %dma_wait3A_175, %dma_wait3A_176, %dma_wait3A_177] : memref<16x2x64x128xf32, #tpu.memory_space<vmem_shared>> -> memref<1x1x64x128xf32, #tpu.memory_space<vmem_shared>>
        %dma_wait3A_179 = tpu.memref_squeeze %dma_wait3A_178 : memref<1x1x64x128xf32, #tpu.memory_space<vmem_shared>> -> memref<64x128xf32, #tpu.memory_space<vmem_shared>>
        %dma_wait3A_180 = arith.constant 0 : i32
        %dma_wait3A_181 = tpu.memref_slice %arg2[%add3A_174, %dma_wait3A_180] : memref<16384x128xf32, #tpu.memory_space<hbm>> -> memref<64x128xf32, #tpu.memory_space<hbm>>
        tpu.wait_dma2 semaphore(%arg15 : memref<!tpu.dma_semaphore, #tpu.memory_space<semaphore_mem>>) src(%dma_wait3A_181 : memref<64x128xf32, #tpu.memory_space<hbm>>) dst(%dma_wait3A_179 : memref<64x128xf32, #tpu.memory_space<vmem_shared>>)
        %dma_start3A_182 = arith.constant 1 : i32
        %dma_start3A_183 = arith.constant 0 : i32
        %dma_start3A_184 = arith.constant 0 : i32
        %dma_start3A_185 = tpu.memref_slice %arg7[%arg1, %dma_start3A_182, %dma_start3A_183, %dma_start3A_184] : memref<16x2x64x128xf32, #tpu.memory_space<vmem_shared>> -> memref<1x1x64x128xf32, #tpu.memory_space<vmem_shared>>
        %dma_start3A_186 = tpu.memref_squeeze %dma_start3A_185 : memref<1x1x64x128xf32, #tpu.memory_space<vmem_shared>> -> memref<64x128xf32, #tpu.memory_space<vmem_shared>>
        %dma_start3A_187 = arith.constant 0 : i32
        %dma_start3A_188 = arith.constant 0 : i32
        %dma_start3A_189 = tpu.memref_slice %arg7[%arg1, %dma_start3A_182, %dma_start3A_187, %dma_start3A_188] : memref<16x2x64x128xf32, #tpu.memory_space<vmem_shared>> -> memref<1x1x64x128xf32, #tpu.memory_space<vmem_shared>>
        %dma_start3A_190 = tpu.memref_squeeze %dma_start3A_189 : memref<1x1x64x128xf32, #tpu.memory_space<vmem_shared>> -> memref<64x128xf32, #tpu.memory_space<vmem_shared>>
        tpu.enqueue_dma source(%dma_start3A_190 : memref<64x128xf32, #tpu.memory_space<vmem_shared>>) target(%arg9 : memref<64x128xf32, #tpu.memory_space<vmem>>) target_semaphore(%arg17 : memref<!tpu.dma_semaphore, #tpu.memory_space<semaphore_mem>>)
        %add3A_191 = arith.constant 2 : i32
        %add3A_192 = arith.addi %add3A_138, %add3A_191 : i32
        %mul3A_193 = arith.constant 64 : i32
        %mul3A_194 = arith.muli %add3A_192, %mul3A_193 : i32
        %dma_start3A_195 = tpu.memref_slice %arg6[%mul3A_194] : memref<512xi32, #tpu.memory_space<vmem>> -> memref<64xi32, #tpu.memory_space<vmem>>
        %dma_start3A_196 = arith.constant 0 : i32
        %dma_start3A_197 = arith.constant 0 : i32
        %dma_start3A_198 = tpu.memref_slice %arg4[%dma_start3A_196, %dma_start3A_197] : memref<100000x128xf32, #tpu.memory_space<hbm>> -> memref<100000x128xf32, #tpu.memory_space<hbm>>
        tpu.enqueue_indirect_dma source(%dma_start3A_198 : memref<100000x128xf32, #tpu.memory_space<hbm>>) target(%arg11 : memref<64x128xf32, #tpu.memory_space<vmem>>) offsets(%dma_start3A_195 : memref<64xi32, #tpu.memory_space<vmem>>) semaphore(%arg19 : memref<!tpu.dma_semaphore, #tpu.memory_space<semaphore_mem>>)
      } else {
      }
      scf.yield %parallel_loop3A_162#0, %parallel_loop3A_162#1, %parallel_loop3A_162#2, %parallel_loop3A_162#3, %parallel_loop3A_162#4, %parallel_loop3A_162#5, %parallel_loop3A_162#6, %parallel_loop3A_162#7 : vector<16xf32>, vector<16xf32>, vector<16xf32>, vector<16xf32>, vector<16xf32>, vector<16xf32>, vector<16xf32>, vector<16xf32>
    }
    %scan3A_82 = arith.constant 4 : i32
    %add3A_83 = arith.addf %scan3A_81#0, %scan3A_81#1 : vector<16xf32>
    %add3A_84 = arith.addf %add3A_83, %scan3A_81#2 : vector<16xf32>
    %add3A_85 = arith.addf %add3A_84, %scan3A_81#3 : vector<16xf32>
    %add3A_86 = arith.addf %add3A_85, %scan3A_81#4 : vector<16xf32>
    %add3A_87 = arith.addf %add3A_86, %scan3A_81#5 : vector<16xf32>
    %add3A_88 = arith.addf %add3A_87, %scan3A_81#6 : vector<16xf32>
    %add3A_89 = arith.addf %add3A_88, %scan3A_81#7 : vector<16xf32>
    %swap3A = arith.constant 0 : i32
    %swap3A_90 = arith.index_cast %swap3A : i32 to index
    %swap3A_91 = arith.constant 0 : index
    %swap3A_92 = tpu.vector_load %arg12[%swap3A_90, %swap3A_91] {strides = array<i32>} : memref<1x16xf32, #tpu.memory_space<vmem>>, vector<1x16xf32>,
    %swap3A_93 = vector.shape_cast %swap3A_92 : vector<1x16xf32> to vector<16xf32>
    %swap3A_94 = vector.shape_cast %add3A_89 : vector<16xf32> to vector<1x16xf32>
    tpu.vector_store %arg12[%swap3A_90, %swap3A_91], %swap3A_94 {strides = array<i32>} : memref<1x16xf32, #tpu.memory_space<vmem>>, vector<1x16xf32>,
    "tpu.region"() ({
      %run_scoped3A = tpu.sem_alloc : memref<!tpu.dma_semaphore, #tpu.memory_space<semaphore_mem>>
      %dma_start3A_95 = arith.constant 0 : i32
      %dma_start3A_96 = tpu.memref_slice %arg5[%add3A, %dma_start3A_95] : memref<32x16xf32, #tpu.memory_space<hbm>> -> memref<1x16xf32, #tpu.memory_space<hbm>>
      %dma_start3A_97 = arith.constant 0 : i32
      %dma_start3A_98 = tpu.memref_slice %arg5[%add3A, %dma_start3A_97] : memref<32x16xf32, #tpu.memory_space<hbm>> -> memref<1x16xf32, #tpu.memory_space<hbm>>
      tpu.enqueue_dma source(%arg12 : memref<1x16xf32, #tpu.memory_space<vmem>>) target(%dma_start3A_98 : memref<1x16xf32, #tpu.memory_space<hbm>>) target_semaphore(%run_scoped3A : memref<!tpu.dma_semaphore, #tpu.memory_space<semaphore_mem>>)
      %dma_wait3A_99 = arith.constant 0 : i32
      %dma_wait3A_100 = tpu.memref_slice %arg5[%add3A, %dma_wait3A_99] : memref<32x16xf32, #tpu.memory_space<hbm>> -> memref<1x16xf32, #tpu.memory_space<hbm>>
      %dma_wait3A_101 = arith.constant 0 : i32
      %dma_wait3A_102 = tpu.memref_slice %arg5[%add3A, %dma_wait3A_101] : memref<32x16xf32, #tpu.memory_space<hbm>> -> memref<1x16xf32, #tpu.memory_space<hbm>>
      tpu.wait_dma2 semaphore(%run_scoped3A : memref<!tpu.dma_semaphore, #tpu.memory_space<semaphore_mem>>) src(%arg12 : memref<1x16xf32, #tpu.memory_space<vmem>>) dst(%dma_wait3A_102 : memref<1x16xf32, #tpu.memory_space<hbm>>)
      tpu.yield
    }) : () -> ()
    return
  }
}

module attributes {stable_mosaic.version = 14 : i64} {
  func.func @_tc_reduce_body(%arg0: memref<32x16xf32, #tpu.memory_space<vmem>>, %arg1: memref<1x1xf32, #tpu.memory_space<smem>>) attributes {dimension_semantics = [], scalar_prefetch = 0 : i64, scratch_operands = 0 : i64, tpu.core_type = #tpu.core_type<tc>} {
    %get3A = arith.constant 0 : index
    %get3A_0 = arith.constant 0 : index
    %get3A_1 = vector.load %arg0[%get3A, %get3A_0] : memref<32x16xf32, #tpu.memory_space<vmem>>, vector<32x16xf32>
    %reduce_sum3A = vector.shape_cast %get3A_1 : vector<32x16xf32> to vector<1x32x16xf32>
    %reduce_sum3A_2 = arith.constant dense<0.000000e+00> : vector<1xf32>
    %reduce_sum3A_3 = vector.multi_reduction <add>, %reduce_sum3A, %reduce_sum3A_2 [1, 2] : vector<1x32x16xf32> to vector<1xf32>
    %reduce_sum3A_4 = vector.shape_cast %reduce_sum3A_3 : vector<1xf32> to vector<1x1x1xf32>
    %reduce_sum3A_5 = vector.extract %reduce_sum3A_4[0, 0, 0] : f32 from vector<1x1x1xf32>
    %mul3A = arith.constant 6.10351563E-5 : f32
    %mul3A_6 = arith.mulf %reduce_sum3A_5, %mul3A : f32
    %swap3A = arith.constant 0 : index
    %swap3A_7 = arith.constant 0 : index
    %swap3A_8 = memref.load %arg1[%swap3A, %swap3A_7] : memref<1x1xf32, #tpu.memory_space<smem>>
    memref.store %mul3A_6, %arg1[%swap3A, %swap3A_7] : memref<1x1xf32, #tpu.memory_space<smem>>
    return
  }
}

</mosaic_0001>

<sc_bundles>
// kernel: kernel.4.cloned.1.call-start
scs
__scs_entry_jumppad:
0x0: {  	(pc) =	sbr.rel $0x88, $3  }
0x1: {  	(tag) =	ssettag $0x0;
	lr =	simm.s32 $0x1  }
0x2: {  	[smem:$0x3F9E] =	sst lr;
	_ =	strace $0xD0000000  }
0x3: {  	_ = 	snop  }
0x4: {  	_ = 	snop  }
0x5: {  	_ = 	snop  }
0x6: {  	_ = 	snop  }
0x7: {  	_ = 	snop  }
__scs_overlays_trampoline_lowered:
0x8: {  	[smem:$0x3FAD] =	sst s0  }
0x9: {  	[smem:$0x3FAE] =	sst s1  }
0xa: {  	[smem:$0x3FAF] =	sst s2  }
0xb: {  	[smem:$0x3FB0] =	sst s3  }
0xc: {  	[smem:$0x3FB1] =	sst s4  }
0xd: {  	[smem:$0x3FB2] =	sst s5  }
0xe: {  	[smem:$0x3FB3] =	sst s6  }
0xf: {  	[smem:$0x3FB4] =	sst s7  }
0x10: {  	[smem:$0x3FB5] =	sst s8  }
0x11: {  	[smem:$0x3FB6] =	sst s9;
	s0 =	simm.s32 @!p0 $0x0  }
0x12: {  	s1 =	sld [smem:$0x3F9C];
	s0 =	simm.s32 @p0 $0x1  }
0x13: {  	[smem:$0x3FB7] =	sst s0;
	s0 =	simm.s32 @!p1 $0x0  }
0x14: {  	s2 =	sld [smem:$0x3F9B];
	s0 =	simm.s32 @p1 $0x1  }
0x15: {  	[smem:$0x3FB8] =	sst s0;
	s0 =	simm.s32 @!p2 $0x0  }
0x16: {  	s3 =	sld [smem:$0x3FDB];
	s0 =	simm.s32 @p2 $0x1  }
0x17: {  	s4 =	simm.s32 $0x1BF5;
	[smem:$0x3FBA] =	sst s0  }
0x18: {  	s0 =	sld [smem:$0x3F9D];
	_ =	swait.ge [sflag:s4], $0x0  }
0x19: {  	s7 =	sld [smem:$0x3F9E]  }
0x1a: {  	s8 =	sadd.s32 $0xFFFFE003, lr  }
0x1b: {  	s9 =	sadd.s32 $0xFFFFFEF7, lr;
	s5 =	simm.s32 $0xFFFFFFFF;
	p2 =	slt.u32 s8, $0xFFFFF086  }
0x1c: {  	p1 =	slt.u32 s9, $0xF7A;
	s5 =	simm.s32 @!p2 $0x0  }
0x1d: {  	s5 =	simm.s32 @p1 $0x1;
	p0 =	seq.s32 s7, s2  }
0x1e: {  	s7 =	smul.u32 @!p0 $0xF7A, s2;
	p2 =	seq.s32 @!p0 s5, $0x0  }
0x1f: {  	s9 =	smul.u32 $0xF7A, s1;
	s8 =	simm.s32 @!p0 $0x1BF5;
	p2 =	por !p2, p0  }
0x20: {  	[sflag:s8] =	ssyncset.s32 @!p0 $0xFFFFF086;
	s6 =	sadd.s32 @!p0 s3, s7;
	s7 =	simm.s32 @!p0 $0x108  }
0x21: {  	s3 =	sadd.s32 s3, s9;
	s6 =	sadd.s32 @!p0 $0x88, s6;
	s7 =	simm.s32 @p2 $0x1082  }
0x22: {  	[simem:s7], [sflag:s8] =	dma.local @!p0 [hbm:s6], $0xF7A  }
0x23: {  	s9 =	sor.u32 $0xD0000000, s2;
	s6 =	simm.s32 $0x108;
	_ =	swait.ge @!p0 [sflag:s8], $0x0  }
0x24: {  	s3 =	sadd.s32 $0x88, s3;
	s6 =	simm.s32 @!p1 $0x1082;
	[sflag:s4] =	ssyncset.s32 $0xFFFFF086  }
0x25: {  	[simem:s6], [sflag:s4] =	dma.local [hbm:s3], $0xF7A  }
0x26: {  	[smem:$0x3F9E] =	sst s1;
	(tag) =	ssettag s2;
	_ =	strace s9  }
0x27: {  	s1 =	sld [smem:$0x3FAE]  }
0x28: {  	s2 =	sld [smem:$0x3FAF]  }
0x29: {  	s4 =	sld [smem:$0x3FB1]  }
0x2a: {  	p0 =	seq.s32 s5, $0x0;
	s5 =	sld [smem:$0x3FB2]  }
0x2b: {  	s6 =	sld [smem:$0x3FB3]  }
0x2c: {  	s7 =	sld [smem:$0x3FB4]  }
0x2d: {  	s3 =	simm.s32 $0x108;
	s8 =	sld [smem:$0x3FB5]  }
0x2e: {  	s3 =	simm.s32 @!p0 $0x1082;
	s9 =	sld [smem:$0x3FB6]  }
0x2f: {  	lr =	sadd.s32 s0, s3;
	s0 =	sld [smem:$0x3FAD]  }
0x30: {  	s3 =	sld [smem:$0x3FB0]  }
0x31: {  	[smem:$0x3FB9] =	sst s10  }
0x32: {  	s10 =	sld [smem:$0x3FB7];
	_ =	sdelay $0x3  }
0x33: {  	p0 =	seq.s32 s10, $0x1;
	s10 =	sld [smem:$0x3FB9];
	_ =	sdelay $0x3  }
0x34: {  	[smem:$0x3FB9] =	sst s10  }
0x35: {  	s10 =	sld [smem:$0x3FB8];
	_ =	sdelay $0x3  }
0x36: {  	p1 =	seq.s32 s10, $0x1;
	s10 =	sld [smem:$0x3FB9];
	_ =	sdelay $0x3  }
0x37: {  	[smem:$0x3FB9] =	sst s10  }
0x38: {  	s10 =	sld [smem:$0x3FBA]  }
0x39: {  	_ = 	snop;
	(pc) =	sbr.ind lr, $3  }
0x3a: {  	_ = 	snop  }
0x3b: {  	_ = 	snop  }
0x3c: {  	p2 =	seq.s32 s10, $0x1;
	s10 =	sld [smem:$0x3FB9]  }
0x3d: {  	_ =	shalt  }
0x3e: {  	_ =	shalt  }
0x3f: {  	_ =	shalt  }
0x40: {  	_ =	shalt  }
0x41: {  	_ =	shalt  }
0x42: {  	_ =	shalt  }
0x43: {  	_ =	shalt  }
0x44: {  	_ =	shalt  }
0x45: {  	_ =	shalt  }
0x46: {  	_ =	shalt  }
0x47: {  	_ =	shalt  }
0x48: {  	_ =	shalt  }
0x49: {  	_ =	shalt  }
0x4a: {  	_ =	shalt  }
0x4b: {  	_ =	shalt  }
0x4c: {  	_ =	shalt  }
0x4d: {  	_ =	shalt  }
0x4e: {  	_ =	shalt  }
0x4f: {  	_ =	shalt  }
0x50: {  	_ =	shalt  }
0x51: {  	_ =	shalt  }
0x52: {  	_ =	shalt  }
0x53: {  	_ =	shalt  }
0x54: {  	_ =	shalt  }
0x55: {  	_ =	shalt  }
0x56: {  	_ =	shalt  }
0x57: {  	_ =	shalt  }
0x58: {  	_ =	shalt  }
0x59: {  	_ =	shalt  }
0x5a: {  	_ =	shalt  }
0x5b: {  	_ =	shalt  }
0x5c: {  	_ =	shalt  }
0x5d: {  	_ =	shalt  }
0x5e: {  	_ =	shalt  }
0x5f: {  	_ =	shalt  }
0x60: {  	_ =	shalt  }
0x61: {  	_ =	shalt  }
0x62: {  	_ =	shalt  }
0x63: {  	_ =	shalt  }
0x64: {  	_ =	shalt  }
0x65: {  	_ =	shalt  }
0x66: {  	_ =	shalt  }
0x67: {  	_ =	shalt  }
0x68: {  	_ =	shalt  }
0x69: {  	_ =	shalt  }
0x6a: {  	_ =	shalt  }
0x6b: {  	_ =	shalt  }
0x6c: {  	_ =	shalt  }
0x6d: {  	_ =	shalt  }
0x6e: {  	_ =	shalt  }
0x6f: {  	_ =	shalt  }
0x70: {  	_ =	shalt  }
0x71: {  	_ =	shalt  }
0x72: {  	_ =	shalt  }
0x73: {  	_ =	shalt  }
0x74: {  	_ =	shalt  }
0x75: {  	_ =	shalt  }
0x76: {  	_ =	shalt  }
0x77: {  	_ =	shalt  }
0x78: {  	_ =	shalt  }
0x79: {  	_ =	shalt  }
0x7a: {  	_ =	shalt  }
0x7b: {  	_ =	shalt  }
0x7c: {  	_ =	shalt  }
0x7d: {  	_ =	shalt  }
0x7e: {  	_ =	shalt  }
0x7f: {  	_ =	shalt  }
0x80: {  	_ =	shalt  }
0x81: {  	_ =	shalt  }
0x82: {  	_ =	shalt  }
0x83: {  	_ =	shalt  }
0x84: {  	_ =	shalt  }
0x85: {  	_ =	shalt  }
0x86: {  	_ =	shalt  }
0x87: {  	_ =	shalt  }
.Lfunc_end0:
.L_simem_size_0:
called_computation_lowered:
.L_overlay_start_0:
0x88: {  	s2 =	sld [smem:$0x3FD9]  }
0x89: {  	s3 =	sld [smem:$0x3FFE];
	_ =	sdelay $0x1  }
0x8a: {  	s1 =	srdreg.scid  }
0x8b: {  	s0 =	sand.u32 $0x1, s1  }
0x8c: {  	s17 =	sshll.u32 s0, $0xA;
	s2 =	sadd.s32 s3, s2  }
0x8d: {  	s2 =	sadd.s32 s2, s17  }
0x8e: {  	[smem:$0x3FC5] =	sst s2  }
0x8f: {  	_ = 	snop  }
0x90: {  	s2 =	sld [smem:$0x3FC9]  }
0x91: {  	s18 =	sld [smem:$0x3FC8]  }
0x92: {  	s4 =	sld [smem:$0x3FC7];
	(tm) =	ssettm $0x1  }
0x93: {  	s5 =	sld [smem:$0x3FFB];
	_ =	sdelay $0x3  }
0x94: {  	_ =	strace s5  }
0x95: {  	s5 =	sld [smem:$0x3FFC];
	_ =	sdelay $0x3  }
0x96: {  	_ =	strace s5  }
0x97: {  	s5 =	sld [smem:$0x3FFD];
	_ =	sdelay $0x3  }
0x98: {  	_ =	strace s5  }
0x99: {  	_ =	strace $0x8FFFFFFF  }
0x9a: {  	s19 =	sld [smem:$0x3FDB];
	_ =	sdelay $0x1  }
0x9b: {  	s6 =	simm.s32 $_scs_section_size  }
0x9c: {  	s7 =	simm.s32 $_size__tile_overlayer_lowered;
	s8 =	simm.s32 $_tile_overlayer_lowered  }
0x9d: {  	s22 =	simm.s32 $0x1BFF;
	s21 =	sshll.u32 s8, $0x1;
	s5 =	sadd.s32 s6, s19  }
0x9e: {  	s9 =	simm.s32 $0x0;
	s20 =	sshll.u32 s7, $0x1;
	s7 =	sadd.s32 s21, s5  }
0x9f: {  	[timem:s9], [sflag:s22] =	dma.local [hbm:s7], s20  }
0xa0: {  	_ =	swait.ge [sflag:s22], s20  }
0xa1: {  	s6 =	ssub.s32 $0x0, s20;
	[sflag:s22] =	ssyncset.done $0x0  }
0xa2: {  	[sflag:s22] =	ssyncadd.s32 s6;
	_ =	sdelay $0x1  }
0xa3: {  	s23 =	simm.s32 $0x1B8B  }
0xa4: {  	_ =	swait.ge [sflag:s23], $0x1  }
0xa5: {  	[sflag:s23] =	ssyncset.done $0x0  }
0xa6: {  	s25 =	simm.s32 $0x1B8E;
	s24 =	sld [smem:$0x3FFE];
	[sflag:s23] =	ssyncadd.s32 $0xFFFFFFFF  }
0xa7: {  	s26 =	simm.s32 $execute0_lowered;
	[smem:$0x3FD2] =	sst s25  }
0xa8: {  	s7 =	sshll.u32 s26, $0x1;
	_ =	strace $0x80000046;
	[dreg:$0x1] =	wrdreg $0xFFFFFFFF  }
0xa9: {  	s28 =	simm.s32 $_size_execute0_lowered;
	s5 =	sadd.s32 s5, s7;
	[dreg:$0x0] =	wrdreg $0x0  }
0xaa: {  	s7 =	sshll.u32 s28, $0x1;
	[dreg:$0x2] =	wrdreg s5  }
0xab: {  	[dreg:$0x3] =	wrdreg s7  }
0xac: {  	[dreg:$0x4] =	wrdreg $0xC0  }
0xad: {  	_ =	task [dreg:s9], $0x5FFFF  }
0xae: {  	[dreg:$0x1] =	wrdreg $0xFFFFFFFF  }
0xaf: {  	[dreg:$0x0] =	wrdreg $0x60  }
0xb0: {  	[dreg:$0x2] =	wrdreg s2  }
0xb1: {  	[dreg:$0x3] =	wrdreg s18  }
0xb2: {  	[dreg:$0x4] =	wrdreg s4  }
0xb3: {  	[dreg:$0x5] =	wrdreg s24  }
0xb4: {  	[dreg:$0x6] =	wrdreg $0x2000  }
0xb5: {  	[dreg:$0x7] =	wrdreg $0x9  }
0xb6: {  	_ =	task.clear_ibuf [dreg:s9], $0x8FFFF;
	_ =	strace $0x90000046  }
0xb7: {  	s29 =	simm.s32 $0x9;
	_ =	strace $0x80000048  }
0xb8: {  	_ =	swait.ge [sflag:s29], $0x1  }
0xb9: {  	[sflag:s29] =	ssyncadd.s32 $0xFFFFFFFF  }
0xba: {  	_ =	strace $0x90000048  }
0xbb: {  	_ =	sfence  }
0xbc: {  	s30 =	sld [smem:$0x0];
	_ =	sdelay $0x2  }
0xbd: {  	s31 =	sshll.u32 s1, $0xD;
	s1 =	sshrl.u32 s1, $0x2  }
0xbe: {  	s3 =	sand.u32 $0x4000, s31;
	s1 =	sadd.s32 s1, s30  }
0xbf: {  	s0 =	sor.u32 s3, s0;
	s1 =	sshll.u32 s1, $0x11  }
0xc0: {  	s0 =	sor.u32 s1, s0  }
0xc1: {  	s0 =	sadd.s32 $0x8F2B, s0  }
0xc2: {  	[sflag:s0] =	ssyncadd.remote.s32 $0x1  }
0xc3: {  	_ =	sfence.sel $0xFFFF  }
0xc4: {  	[dreg:$0x0] =	wrdreg $0xFFFFFFFF;
	(pc) =	sbr.abs _section_cstart, $3  }
0xc5: {  	[dreg:$0x1] =	wrdreg $0xFFFFFFFF  }
0xc6: {  	_ =	task.clear_ibuf [dreg:s9], $0x2FFFF;
	_ =	strace $0x9FFFFFFF  }
0xc7: {  	(tm) =	ssettm $0x7FFFFFFF  }
tec
execute0_lowered:
.L_overlay_start_1:
0x0: {  	(tag) =	ssettag $0x1  }
0x1: {  	s0 =	rddreg [dreg:$0x0]  }
0x2: {  	s2 =	rddreg [dreg:$0x1]  }
0x3: {  	s1 =	rddreg [dreg:$0x2]  }
0x4: {  	s4 =	rddreg [dreg:$0x3]  }
0x5: {  	s5 =	rddreg [dreg:$0x4]  }
0x6: {  	s6 =	srdreg.scid;
	s9 =	stileid.u32;
	s3 =	simm.s32 $0x0  }
0x7: {  	s15 =	simm.s32 $0x1;
	s16 =	simm.s32 $0x40;
	s18 =	simm.s32 $0xA200  }
0x8: {  	s19 =	simm.s32 $0x2;
	s21 =	simm.s32 $0x3;
	s22 =	simm.s32 $0x6200  }
0x9: {  	s23 =	simm.s32 $0x4;
	s28 =	simm.s32 $0xC200;
	s29 =	simm.s32 $0x8  }
0xa: {  	s30 =	simm.s32 $0x0;
	s6 =	sand.u32 $0x1, s6;
	s7 =	sshll.u32 s9, $0x1  }
0xb: {  	[smem:$0x7FF] =	sst s3;
	s26 =	sshll.u32 s9, $0xE;
	s13 =	sshll.u32 s9, $0x6  }
0xc: {  	s7 =	sor.u32 s6, s7;
	_ =	strace $0x80000047;
	s6 =	ssub.s32 $0x2, s6  }
0xd: {  	s5 =	sadd.s32 s26, s5;
	s26 =	simm.s32 $0x7;
	s8 =	sshll.u32 s7, $0x4  }
0xe: {  	s24 =	sshrl.u32 s6, $0x1;
	s25 =	sshll.u32 s7, $0x6;
	s31 =	sshll.u32 s7, $0xD  }
.Ltmp0:
0xf: {  	s7 =	sor.u32 $0x1C02, s13;
	s12 =	sshrl.u32 s5, $0x3;
	(pc) =	sbr.rel .LBB2_1-.Ltmp0, $4  }
0x10: {  	s13 =	sor.u32 $0x1C03, s13;
	s10 =	sadd.s32 s8, s4;
	s11 =	ssub.s32 s6, s24  }
0x11: {  	s4 =	sadd.s32 s2, s25;
	s6 =	sadd.s32 s0, s31;
	s8 =	sadd.s32 $0x2000, s5  }
0x12: {  	s24 =	simm.s32 $0x6;
	s25 =	simm.s32 $0x5;
	s9 =	sadd.s32 $0x400, s6  }
0x13: {  	s10 =	sadd.s32 $0x600, s10;
	s11 =	smax.u32 s11, $0x1;
	s14 =	sshrl.u32 s8, $0x3  }
.LBB2_8:
0x14: {  	v4 =	vadd.f32 v10, v6;
	_ =	sdelay $0x1  }
0x15: {  	v4 =	vadd.f32 v7, v4;
	_ =	sdelay $0x1  }
0x16: {  	v3 =	vadd.f32 v3, v4;
	_ =	sdelay $0x1  }
0x17: {  	v2 =	vadd.f32 v2, v3;
	_ =	sdelay $0x1  }
0x18: {  	v1 =	vadd.f32 v1, v2;
	_ =	sdelay $0x1  }
0x19: {  	v0 =	vadd.f32 v0, v1;
	_ =	sdelay $0x1  }
0x1a: {  	s30 =	sadd.s32 $0x1, s30;
	v0 =	vadd.f32 v5, v0  }
0x1b: {  	p0 =	sne.s32 s30, s11  }
.Ltmp1:
0x1c: {  	[tilespmem:$0xC200] =	vst v0;
	(pc) =	sbr.rel @!p0 .LBB2_9-.Ltmp1, $4  }
0x1d: {  	[hbm4b:s10+s3] =	stream.linear.scatter [tilespmem:s28], [sflag:$0x8], $0x80, $0x38;
	[tilespmem:$0xC280] =	vst v63  }
0x1e: {  	_ =	swait.ge [sflag:s29], $0x80  }
0x1f: {  	[sflag:s29] =	ssyncset.done $0x0  }
0x20: {  	[sflag:s29] =	ssyncadd.s32 $0xFFFFFF80  }
.LBB2_1:
0x21: {  	[tilespmem:s3], [sflag:$0x1] =	stream.linear.gather [hbm4b:s4+s3], $0x200, $0x38;
	[tilespmem:$0xC280] =	vst v63  }
0x22: {  	[spmem:s12], [sflag:s7] =	dma.local [hbm:s6], $0x400  }
0x23: {  	[spmem:s14], [sflag:s13] =	dma.local [hbm:s9], $0x400  }
0x24: {  	_ =	swait.ge [sflag:s15], $0x200  }
0x25: {  	[sflag:s15] =	ssyncset.done $0x0  }
0x26: {  	s0 =	simm.s32 $0x8200;
	[sflag:s15] =	ssyncadd.s32 $0xFFFFFE00  }
0x27: {  	[tilespmem:s0], [sflag:$0x6] =	stream.indirect.gather [hbm4b:s1+s16], $0x80, s3, s16, $0xb8;
	[tilespmem:$0xC280] =	vst v63  }
0x28: {  	_ = 	snop  }
0x29: {  	[tilespmem:s18], [sflag:$0x7] =	stream.indirect.gather [hbm4b:s1+s16], $0x80, s16, s16, $0xb8;
	[tilespmem:$0xC280] =	vst v63  }
0x2a: {  	_ =	swait.ge [sflag:s19], $0x400  }
0x2b: {  	[sflag:s19] =	ssyncset.done $0x0  }
0x2c: {  	s20 =	simm.s32 $0x4200;
	[sflag:s19] =	ssyncadd.s32 $0xFFFFFC00  }
0x2d: {  	[tilespmem:s20], [sflag:$0x4] =	stream.linear.gather [spmem:s5], $0x2000, $0x38;
	[tilespmem:$0xC280] =	vst v63  }
0x2e: {  	_ =	swait.ge [sflag:s21], $0x400  }
0x2f: {  	v5 =	vimm.f32 $0.0e+00;
	v0 =	vimm.f32 $0.0e+00;
	[sflag:s21] =	ssyncset.done $0x0  }
0x30: {  	v1 =	vimm.f32 $0.0e+00;
	v2 =	vimm.f32 $0.0e+00;
	v3 =	vimm.f32 $0.0e+00;
	s31 =	simm.s32 $0x0;
	[sflag:s21] =	ssyncadd.s32 $0xFFFFFC00  }
0x31: {  	v7 =	vimm.f32 $0.0e+00;
	v10 =	vimm.f32 $0.0e+00;
	v6 =	vimm.f32 $0.0e+00;
	[tilespmem:s22], [sflag:$0x5] =	stream.linear.gather [spmem:s8], $0x2000, $0x38;
	[tilespmem:$0xC280] =	vst v63  }
.LBB2_2:
0x32: {  	s0 =	sshll.u32 s31, $0x1  }
0x33: {  	_ =	swait.ge [sflag:s23], $0x2000;
	p0 =	seq.s32 s31, $0x3;
	s2 =	sadd.s32 $0x2, s0  }
0x34: {  	[sflag:s23] =	ssyncset.done $0x0;
	s17 =	sshll.u32 @!p0 s2, $0xA  }
0x35: {  	s20 =	sshrl.u32 @!p0 s5, $0x3;
	[sflag:s23] =	ssyncadd.s32 $0xFFFFE000;
	s17 =	sadd.s32 @!p0 s17, s6  }
0x36: {  	[spmem:s20], [sflag:s7] =	dma.local @!p0 [hbm:s17], $0x400  }
0x37: {  	_ =	swait.ge [sflag:s24], $0x2000  }
0x38: {  	[sflag:s24] =	ssyncset.done $0x0  }
0x39: {  	s20 =	simm.s32 $0x0;
	[sflag:s24] =	ssyncadd.s32 $0xFFFFE000  }
0x3a: {  	v4 =	vld [tilespmem:s20+$0x4270]  }
0x3b: {  	v8 =	vld [tilespmem:s20+$0x8270]  }
0x3c: {  	v9 =	vld [tilespmem:s20+$0x4200]  }
0x3d: {  	v11 =	vld [tilespmem:s20+$0x8200]  }
0x3e: {  	v12 =	vld [tilespmem:s20+$0x4210]  }
0x3f: {  	v13 =	vld [tilespmem:s20+$0x8210]  }
0x40: {  	v14 =	vld [tilespmem:s20+$0x4220]  }
0x41: {  	v15 =	vld [tilespmem:s20+$0x8220]  }
0x42: {  	v16 =	vld [tilespmem:s20+$0x4230]  }
0x43: {  	v17 =	vld [tilespmem:s20+$0x8230]  }
0x44: {  	v18 =	vld [tilespmem:s20+$0x4240];
	v4 =	vsub.f32 v4, v8  }
0x45: {  	v19 =	vld [tilespmem:s20+$0x8240];
	v9 =	vsub.f32 v9, v11;
	v11 =	vsub.f32 v12, v13  }
0x46: {  	v12 =	vsub.f32 v14, v15;
	v8 =	vld [tilespmem:s20+$0x4250];
	v4 =	vmul.f32 v4, v4  }
0x47: {  	v13 =	vmul.f32 v9, v9;
	v14 =	vmul.f32 v11, v11;
	v11 =	vld [tilespmem:s20+$0x8250]  }
0x48: {  	v16 =	vsub.f32 v16, v17;
	v15 =	vmul.f32 v12, v12;
	v9 =	vld [tilespmem:s20+$0x4260];
	v4 =	vadd.f32 v4, v5  }
0x49: {  	s17 =	simm.s32 $0x80;
	v12 =	vld [tilespmem:s20+$0x8260];
	v5 =	vadd.f32 v13, v6;
	v6 =	vadd.f32 v14, v10  }
0x4a: {  	s20 =	simm.s32 $0x400;
	v10 =	vld [tilespmem:s17+$0x4270];
	v7 =	vadd.f32 v15, v7;
	v13 =	vmul.f32 v16, v16;
	v14 =	vsub.f32 v18, v19  }
.LBB2_3:
0x4b: {  	p1 =	sne.s32 s20, $0x7E00;
	v15 =	vld [tilespmem:s17+$0x8270]  }
0x4c: {  	v16 =	vld [tilespmem:s17+$0x4200];
	v3 =	vadd.f32 v13, v3;
	v13 =	vmul.f32 v14, v14;
	v8 =	vsub.f32 v8, v11  }
0x4d: {  	v11 =	vld [tilespmem:s17+$0x8200]  }
0x4e: {  	v14 =	vld [tilespmem:s17+$0x4210];
	v2 =	vadd.f32 v13, v2;
	v8 =	vmul.f32 v8, v8;
	v9 =	vsub.f32 v9, v12  }
0x4f: {  	v12 =	vld [tilespmem:s17+$0x8210]  }
0x50: {  	v13 =	vld [tilespmem:s17+$0x4220];
	v10 =	vsub.f32 v10, v15;
	v1 =	vadd.f32 v8, v1;
	v8 =	vmul.f32 v9, v9  }
0x51: {  	v9 =	vld [tilespmem:s17+$0x8220]  }
0x52: {  	v11 =	vsub.f32 v16, v11;
	v15 =	vld [tilespmem:s17+$0x4230];
	v10 =	vmul.f32 v10, v10;
	v0 =	vadd.f32 v8, v0  }
0x53: {  	v16 =	vld [tilespmem:s17+$0x8230]  }
0x54: {  	v8 =	vmul.f32 v11, v11;
	v11 =	vsub.f32 v14, v12;
	v14 =	vld [tilespmem:s17+$0x4240];
	v4 =	vadd.f32 v10, v4  }
0x55: {  	v17 =	vld [tilespmem:s17+$0x8240]  }
.Ltmp2:
0x56: {  	v5 =	vadd.f32 v8, v5;
	v10 =	vmul.f32 v11, v11;
	v9 =	vsub.f32 v13, v9;
	v8 =	vld [tilespmem:s17+$0x4250];
	(pc) =	sbr.rel @p1 .LBB2_3-.Ltmp2, $4  }
0x57: {  	v11 =	vld [tilespmem:s17+$0x8250]  }
0x58: {  	v6 =	vadd.f32 v10, v6;
	v13 =	vmul.f32 v9, v9;
	v15 =	vsub.f32 v15, v16;
	v9 =	vld [tilespmem:s17+$0x4260]  }
0x59: {  	v12 =	vld [tilespmem:s17+$0x8260];
	s17 =	sshra.s32 s20, $0x2  }
0x5a: {  	s20 =	sadd.s32 $0x200, s20;
	v10 =	vld [tilespmem:s17+$0x4270];
	v7 =	vadd.f32 v13, v7;
	v13 =	vmul.f32 v15, v15;
	v14 =	vsub.f32 v14, v17  }
0x5b: {  	v15 =	vld [tilespmem:s17+$0x8270]  }
0x5c: {  	v16 =	vld [tilespmem:s17+$0x4200]  }
0x5d: {  	v17 =	vld [tilespmem:s17+$0x8200]  }
0x5e: {  	v18 =	vld [tilespmem:s17+$0x4210]  }
0x5f: {  	v19 =	vld [tilespmem:s17+$0x8210]  }
0x60: {  	v20 =	vld [tilespmem:s17+$0x4220]  }
0x61: {  	v21 =	vld [tilespmem:s17+$0x8220]  }
0x62: {  	v22 =	vld [tilespmem:s17+$0x4230]  }
0x63: {  	v23 =	vld [tilespmem:s17+$0x8230]  }
0x64: {  	v24 =	vld [tilespmem:s17+$0x4240]  }
0x65: {  	v25 =	vld [tilespmem:s17+$0x8240]  }
0x66: {  	v26 =	vld [tilespmem:s17+$0x4250]  }
0x67: {  	v27 =	vld [tilespmem:s17+$0x8250]  }
0x68: {  	v28 =	vld [tilespmem:s17+$0x4260]  }
0x69: {  	v29 =	vld [tilespmem:s17+$0x8260];
	s17 =	simm.s32 @!p0 $0x2  }
0x6a: {  	_ =	swait.ge @!p0 [sflag:s17], $0x400  }
0x6b: {  	[sflag:s17] =	ssyncset.done @!p0 $0x0  }
0x6c: {  	s2 =	sshll.u32 @!p0 s2, $0x6;
	[sflag:s17] =	ssyncadd.s32 @!p0 $0xFFFFFC00;
	s17 =	simm.s32 @!p0 $0x4200  }
0x6d: {  	[tilespmem:s17], [sflag:$0x4] =	stream.linear.gather @!p0 [spmem:s5], $0x2000, $0x38;
	[tilespmem:$0xC280] =	vst v63  }
0x6e: {  	s20 =	simm.s32 @!p0 $0x8200;
	s2 =	sand.u32 @!p0 $0x3FFFFFC0, s2;
	s17 =	simm.s32 @!p0 $0x40  }
0x6f: {  	[tilespmem:s20], [sflag:$0x6] =	stream.indirect.gather @!p0 [hbm4b:s1+s17], $0x80, s2, s17, $0xb8;
	[tilespmem:$0xC280] =	vst v63  }
0x70: {  	s0 =	sadd.s32 $0x3, s0;
	_ =	swait.ge [sflag:s25], $0x2000  }
0x71: {  	s2 =	sshll.u32 @!p0 s0, $0xA;
	[sflag:s25] =	ssyncset.done $0x0  }
0x72: {  	s17 =	sshrl.u32 @!p0 s8, $0x3;
	s2 =	sadd.s32 @!p0 s2, s6;
	[sflag:s25] =	ssyncadd.s32 $0xFFFFE000  }
0x73: {  	[spmem:s17], [sflag:s13] =	dma.local @!p0 [hbm:s2], $0x400  }
0x74: {  	_ =	swait.ge [sflag:s26], $0x2000  }
0x75: {  	v8 =	vsub.f32 v8, v11;
	[sflag:s26] =	ssyncset.done $0x0  }
0x76: {  	v11 =	vmul.f32 v14, v14;
	s20 =	simm.s32 $0x0;
	[sflag:s26] =	ssyncadd.s32 $0xFFFFE000  }
0x77: {  	v8 =	vmul.f32 v8, v8;
	v9 =	vsub.f32 v9, v12;
	v12 =	vld [tilespmem:s20+$0x6270]  }
0x78: {  	v3 =	vadd.f32 v13, v3;
	v2 =	vadd.f32 v11, v2;
	v11 =	vld [tilespmem:s20+$0xA270]  }
0x79: {  	v10 =	vsub.f32 v10, v15;
	v8 =	vadd.f32 v8, v1;
	v1 =	vmul.f32 v9, v9;
	v9 =	vld [tilespmem:s20+$0x6200]  }
0x7a: {  	v13 =	vsub.f32 v16, v17;
	v14 =	vsub.f32 v18, v19;
	v15 =	vld [tilespmem:s20+$0xA200]  }
0x7b: {  	v55 =	vadd.f32 v1, v0;
	v0 =	vmul.f32 v10, v10;
	v1 =	vsub.f32 v20, v21;
	v10 =	vld [tilespmem:s20+$0x6210]  }
0x7c: {  	v56 =	vsub.f32 v22, v23;
	v13 =	vmul.f32 v13, v13;
	v14 =	vmul.f32 v14, v14;
	v57 =	vld [tilespmem:s20+$0xA210]  }
0x7d: {  	v4 =	vadd.f32 v0, v4;
	v0 =	vmul.f32 v1, v1;
	v1 =	vsub.f32 v24, v25;
	v58 =	vld [tilespmem:s20+$0x6220]  }
0x7e: {  	v13 =	vadd.f32 v13, v5;
	v14 =	vadd.f32 v14, v6;
	v5 =	vmul.f32 v56, v56;
	v6 =	vld [tilespmem:s20+$0xA220]  }
0x7f: {  	v59 =	vadd.f32 v0, v7;
	v1 =	vmul.f32 v1, v1;
	v7 =	vsub.f32 v26, v27;
	v60 =	vld [tilespmem:s20+$0x6230]  }
0x80: {  	v0 =	vadd.f32 v5, v3;
	v3 =	vsub.f32 v28, v29;
	v61 =	vld [tilespmem:s20+$0xA230]  }
0x81: {  	v1 =	vadd.f32 v1, v2;
	v2 =	vmul.f32 v7, v7;
	v62 =	vld [tilespmem:s20+$0x6240];
	v5 =	vsub.f32 v12, v11  }
0x82: {  	v3 =	vmul.f32 v3, v3;
	v7 =	vsub.f32 v9, v15;
	v9 =	vsub.f32 v10, v57;
	v15 =	vld [tilespmem:s20+$0xA240]  }
0x83: {  	v2 =	vadd.f32 v2, v8;
	v8 =	vld [tilespmem:s20+$0x6250];
	v11 =	vsub.f32 v58, v6;
	v10 =	vmul.f32 v5, v5  }
0x84: {  	v5 =	vadd.f32 v3, v55;
	v3 =	vmul.f32 v7, v7;
	v12 =	vmul.f32 v9, v9;
	v9 =	vld [tilespmem:s20+$0xA250]  }
0x85: {  	v63 =	vsub.f32 v60, v61;
	v6 =	vadd.f32 v10, v4;
	v4 =	vmul.f32 v11, v11;
	v10 =	vld [tilespmem:s20+$0x6260]  }
0x86: {  	s2 =	simm.s32 $0x80;
	v7 =	vadd.f32 v3, v13;
	v3 =	vadd.f32 v12, v14;
	v12 =	vld [tilespmem:s20+$0xA260]  }
0x87: {  	s17 =	simm.s32 $0x400;
	v11 =	vld [tilespmem:s2+$0x6270];
	v13 =	vmul.f32 v63, v63;
	v14 =	vsub.f32 v62, v15;
	v4 =	vadd.f32 v4, v59  }
.LBB2_5:
0x88: {  	p1 =	sne.s32 s17, $0x7E00;
	v15 =	vld [tilespmem:s2+$0xA270]  }
0x89: {  	v16 =	vld [tilespmem:s2+$0x6200];
	v0 =	vadd.f32 v13, v0;
	v13 =	vmul.f32 v14, v14;
	v8 =	vsub.f32 v8, v9  }
0x8a: {  	v9 =	vld [tilespmem:s2+$0xA200]  }
0x8b: {  	v14 =	vld [tilespmem:s2+$0x6210];
	v1 =	vadd.f32 v13, v1;
	v8 =	vmul.f32 v8, v8;
	v10 =	vsub.f32 v10, v12  }
0x8c: {  	v12 =	vld [tilespmem:s2+$0xA210]  }
0x8d: {  	v13 =	vld [tilespmem:s2+$0x6220];
	v11 =	vsub.f32 v11, v15;
	v2 =	vadd.f32 v8, v2;
	v8 =	vmul.f32 v10, v10  }
0x8e: {  	v10 =	vld [tilespmem:s2+$0xA220]  }
0x8f: {  	v9 =	vsub.f32 v16, v9;
	v15 =	vld [tilespmem:s2+$0x6230];
	v11 =	vmul.f32 v11, v11;
	v5 =	vadd.f32 v8, v5  }
0x90: {  	v16 =	vld [tilespmem:s2+$0xA230]  }
0x91: {  	v8 =	vmul.f32 v9, v9;
	v9 =	vsub.f32 v14, v12;
	v14 =	vld [tilespmem:s2+$0x6240];
	v6 =	vadd.f32 v11, v6  }
0x92: {  	v17 =	vld [tilespmem:s2+$0xA240]  }
.Ltmp3:
0x93: {  	v7 =	vadd.f32 v8, v7;
	v11 =	vmul.f32 v9, v9;
	v10 =	vsub.f32 v13, v10;
	v8 =	vld [tilespmem:s2+$0x6250];
	(pc) =	sbr.rel @p1 .LBB2_5-.Ltmp3, $4  }
0x94: {  	v9 =	vld [tilespmem:s2+$0xA250]  }
0x95: {  	v3 =	vadd.f32 v11, v3;
	v13 =	vmul.f32 v10, v10;
	v15 =	vsub.f32 v15, v16;
	v10 =	vld [tilespmem:s2+$0x6260]  }
0x96: {  	v12 =	vld [tilespmem:s2+$0xA260];
	s2 =	sshra.s32 s17, $0x2  }
0x97: {  	s17 =	sadd.s32 $0x200, s17;
	v11 =	vld [tilespmem:s2+$0x6270];
	v4 =	vadd.f32 v13, v4;
	v13 =	vmul.f32 v15, v15;
	v14 =	vsub.f32 v14, v17  }
0x98: {  	v15 =	vld [tilespmem:s2+$0xA270]  }
0x99: {  	v16 =	vld [tilespmem:s2+$0x6200]  }
0x9a: {  	v17 =	vld [tilespmem:s2+$0xA200]  }
0x9b: {  	v18 =	vld [tilespmem:s2+$0x6210]  }
0x9c: {  	v19 =	vld [tilespmem:s2+$0xA210]  }
0x9d: {  	v20 =	vld [tilespmem:s2+$0x6220]  }
0x9e: {  	v21 =	vld [tilespmem:s2+$0xA220]  }
0x9f: {  	v22 =	vld [tilespmem:s2+$0x6230]  }
0xa0: {  	v23 =	vld [tilespmem:s2+$0xA230]  }
0xa1: {  	v24 =	vld [tilespmem:s2+$0x6240]  }
0xa2: {  	v25 =	vld [tilespmem:s2+$0xA240]  }
0xa3: {  	v58 =	vld [tilespmem:s2+$0xA250];
	v8 =	vsub.f32 v8, v9  }
0xa4: {  	v60 =	vld [tilespmem:s2+$0x6260];
	v57 =	vmul.f32 v14, v14;
	v9 =	vsub.f32 v10, v12;
	v11 =	vsub.f32 v11, v15  }
0xa5: {  	v61 =	vld [tilespmem:s2+$0xA260];
	v0 =	vadd.f32 v13, v0;
	v8 =	vmul.f32 v8, v8;
	v59 =	vsub.f32 v16, v17  }
0xa6: {  	v10 =	vld [tilespmem:s2+$0x6250];
	v1 =	vadd.f32 v57, v1;
	v9 =	vmul.f32 v9, v9;
	v11 =	vmul.f32 v11, v11  }
0xa7: {  	v8 =	vadd.f32 v8, v2;
	v62 =	vsub.f32 v18, v19;
	v2 =	vmul.f32 v59, v59  }
0xa8: {  	v9 =	vadd.f32 v9, v5;
	v5 =	vadd.f32 v11, v6  }
0xa9: {  	v6 =	vadd.f32 v2, v7;
	v2 =	vsub.f32 v20, v21  }
0xaa: {  	v63 =	vsub.f32 v24, v25;
	v7 =	vsub.f32 v22, v23;
	v11 =	vmul.f32 v62, v62  }
.Ltmp4:
0xab: {  	v12 =	vsub.f32 v60, v61;
	v14 =	vsub.f32 v10, v58;
	v2 =	vmul.f32 v2, v2;
	(pc) =	sbr.rel @p0 .LBB2_8-.Ltmp4, $4  }
0xac: {  	v10 =	vadd.f32 v11, v3;
	v3 =	vmul.f32 v7, v7;
	v11 =	vmul.f32 v63, v63  }
0xad: {  	v12 =	vmul.f32 v12, v12;
	v7 =	vadd.f32 v2, v4;
	v4 =	vmul.f32 v14, v14  }
0xae: {  	v3 =	vadd.f32 v3, v0;
	v2 =	vadd.f32 v11, v1  }
0xaf: {  	v0 =	vadd.f32 v12, v9;
	v1 =	vadd.f32 v4, v8  }
0xb0: {  	_ =	swait.ge [sflag:s21], $0x400  }
.Ltmp5:
0xb1: {  	[sflag:s21] =	ssyncset.done $0x0;
	(pc) =	sbr.rel .LBB2_2-.Ltmp5, $4  }
0xb2: {  	s0 =	sshll.u32 s0, $0x6;
	[sflag:s21] =	ssyncadd.s32 $0xFFFFFC00  }
0xb3: {  	[tilespmem:s22], [sflag:$0x5] =	stream.linear.gather [spmem:s8], $0x2000, $0x38;
	[tilespmem:$0xC280] =	vst v63  }
0xb4: {  	s31 =	sadd.s32 $0x1, s31;
	s0 =	sand.u32 $0x3FFFFFC0, s0  }
0xb5: {  	[tilespmem:s18], [sflag:$0x7] =	stream.indirect.gather [hbm4b:s1+s16], $0x80, s0, s16, $0xb8;
	[tilespmem:$0xC280] =	vst v63  }
.LBB2_9:
0xb6: {  	_ =	sfence.sel $0x180000  }
0xb7: {  	[bflag:$0x0] =	sbarrier.arrive $0xFFFF  }
0xb8: {  	_ =	strace $0x90000047  }
0xb9: {  	s0 =	stileid.u32;
	[bflag:$0x2] =	sbarrier.arrive $0xFFFF  }
0xba: {  	p0 =	sne.s32 s0, $0x0;
	s0 =	rddreg [dreg:$0x5]  }
0xbb: {  	s0 =	sadd.s32 @!p0 $0x100000, s0  }
0xbc: {  	[sflag:s0] =	ssyncadd.tile.s32 @!p0 $0x1;
	_ =	shalt  }
.Lfunc_end2:
_tile_overlayer_lowered:
.L_overlay_start_2:
0xbd: {  	(tag) =	ssettag $0x2  }
0xbe: {  	s0 =	rddreg [dreg:$0x0];
	s2 =	stileid.u32  }
0xbf: {  	s1 =	rddreg [dreg:$0x1];
	p0 =	sne.s32 s2, $0x0  }
0xc0: {  	s3 =	rddreg [dreg:$0x2];
	[bflag:$0x3] =	sbarrier.arrive $0xFFFF;
	s2 =	simm.s32 @!p0 $0x1C08  }
0xc1: {  	[timem:s3], [sflag:s2] =	dma.local @!p0 [hbm:s0], s1  }
0xc2: {  	s0 =	simm.s32 @!p0 $0x8  }
0xc3: {  	_ =	swait.ge @!p0 [sflag:s0], s1  }
0xc4: {  	s1 =	ssub.s32 @!p0 $0x0, s1;
	[sflag:s0] =	ssyncset.done @!p0 $0x0  }
0xc5: {  	[sflag:s0] =	ssyncadd.s32 @!p0 s1  }
0xc6: {  	[bflag:$0x3] =	sbarrier.arrive $0xFFFF  }
0xc7: {  	_ =	shalt  }

</sc_bundles>
